<compile_context>
chip_gen: v7x
topology: tpu7x:2x2x1
jax: 0.10.2.dev20260603
libtpu: 0.0.44.dev20260713+nightly
codegen_flags: <defaults>
</compile_context>

<pallas_src>
import jax
import jax.numpy as jnp
from jax import lax
from jax.experimental import pallas as pl
from jax.experimental.pallas import tpu as pltpu
from jax.experimental.pallas import tpu_sc as plsc

N_NODES = 10000
N_EDGES = 320000
D = 128

NUM_CORES = 2
NUM_SUBCORES = 16
NW = NUM_CORES * NUM_SUBCORES
EPT = N_EDGES // NW
CHUNK = 50
NBLK = 5
BLKC = EPT // (NBLK * CHUNK)
NBUF = 5
NPAD = 10240
ROWS_PER_TILE = NPAD // NUM_SUBCORES


def _make_aggregate(with_count):
  out_type = [jax.ShapeDtypeStruct((NUM_CORES, NPAD, D), jnp.float32)]
  scratch = [
      pltpu.VMEM((BLKC, CHUNK), jnp.int32),
      pltpu.VMEM((BLKC, CHUNK), jnp.int32),
      [pltpu.VMEM((CHUNK, D), jnp.float32) for _ in range(NBUF)],
      pltpu.VMEM_SHARED((NPAD, D), jnp.float32),
      [pltpu.SemaphoreType.DMA for _ in range(NBUF)],
  ]
  if with_count:
    out_type.append(
        jax.ShapeDtypeStruct((NUM_CORES, NPAD, 16), jnp.float32))
    scratch += [
        pltpu.VMEM((CHUNK, 16), jnp.float32),
        pltpu.VMEM_SHARED((NPAD, 16), jnp.float32),
        pltpu.SemaphoreType.DMA,
    ]

  def body(feat_h, src_h, dst_h, zrow_h, zcnt_h, ones_h, *rest):
    if with_count:
      (s_out, c_out, sidx, didx, rows, acc, sems, ones, cacc, csem) = rest
    else:
      (s_out, sidx, didx, rows, acc, sems) = rest

    cid = lax.axis_index("c")
    sid = lax.axis_index("s")
    wid = cid * NUM_SUBCORES + sid
    row0 = sid * ROWS_PER_TILE

    pltpu.sync_copy(zrow_h, acc.at[pl.ds(row0, ROWS_PER_TILE)])
    if with_count:
      pltpu.sync_copy(zcnt_h, cacc.at[pl.ds(row0, ROWS_PER_TILE)])
      pltpu.sync_copy(ones_h, ones)

    plsc.subcore_barrier()

    def block(blk, _):
      pltpu.sync_copy(src_h.at[wid, blk], sidx)
      pltpu.sync_copy(dst_h.at[wid, blk], didx)
      for b in range(NBUF):
        pltpu.async_copy(feat_h.at[sidx.at[b]], rows[b], sems[b])

      def ring(q, _):
        for b in range(NBUF):
          j = NBUF * q + b
          pltpu.make_async_copy(feat_h.at[sidx.at[j]], rows[b],
                                sems[b]).wait()
          pltpu.sync_copy(rows[b], acc.at[didx.at[j]], add=True)
          if with_count:
            pltpu.async_copy(ones, cacc.at[didx.at[j]], csem, add=True)

          @pl.when(q < BLKC // NBUF - 1)
          def _():
            pltpu.async_copy(feat_h.at[sidx.at[j + NBUF]], rows[b], sems[b])
        return 0
      lax.fori_loop(0, BLKC // NBUF, ring, 0)
      if with_count:
        def cdrain(j, _):
          pltpu.make_async_copy(ones, cacc.at[didx.at[j]], csem).wait()
          return 0
        lax.fori_loop(0, BLKC, cdrain, 0)
      return 0
    lax.fori_loop(0, NBLK, block, 0)

    plsc.subcore_barrier()

    pltpu.sync_copy(acc.at[pl.ds(row0, ROWS_PER_TILE)],
                    s_out.at[cid, pl.ds(row0, ROWS_PER_TILE)])
    if with_count:
      pltpu.sync_copy(cacc.at[pl.ds(row0, ROWS_PER_TILE)],
                      c_out.at[cid, pl.ds(row0, ROWS_PER_TILE)])

  mesh = plsc.VectorSubcoreMesh(core_axis_name="c", subcore_axis_name="s")
  return pl.kernel(body, out_type=tuple(out_type), mesh=mesh,
                   scratch_types=scratch,
                   compiler_params=pltpu.CompilerParams(
                       use_tc_tiling_on_sc=False))


_aggregate_count = _make_aggregate(True)
_aggregate = _make_aggregate(False)

BLK = 1000
GRID = N_NODES // BLK


def _update1_body(x_ref, s_ref, c_ref, w_ref, b_ref, h_ref, inv_ref):
  s = s_ref[0] + s_ref[1]
  cnt = c_ref[0, :, 0:1] + c_ref[1, :, 0:1]
  inv = jnp.where(cnt > 0, 1.0 / jnp.maximum(cnt, 1.0), 0.0)
  mean = s * inv
  h = (jnp.dot(x_ref[...], w_ref[0:D, :], preferred_element_type=jnp.float32)
       + jnp.dot(mean, w_ref[D:2 * D, :], preferred_element_type=jnp.float32)
       + b_ref[...])
  h_ref[...] = jnp.maximum(h, 0.0)
  inv_ref[...] = jnp.broadcast_to(inv, (BLK, 16))


def _update2_body(x_ref, s_ref, inv_ref, w_ref, b_ref, o_ref):
  s = s_ref[0] + s_ref[1]
  mean = s * inv_ref[:, 0:1]
  h = (jnp.dot(x_ref[...], w_ref[0:D, :], preferred_element_type=jnp.float32)
       + jnp.dot(mean, w_ref[D:2 * D, :], preferred_element_type=jnp.float32)
       + b_ref[...])
  o_ref[...] = jnp.maximum(h, 0.0)


def _update1(x, s_part, c_part, W, b):
  return pl.pallas_call(
      _update1_body,
      grid=(GRID,),
      in_specs=[
          pl.BlockSpec((BLK, D), lambda i: (i, 0)),
          pl.BlockSpec((NUM_CORES, BLK, D), lambda i: (0, i, 0)),
          pl.BlockSpec((NUM_CORES, BLK, 16), lambda i: (0, i, 0)),
          pl.BlockSpec((2 * D, D), lambda i: (0, 0)),
          pl.BlockSpec((1, D), lambda i: (0, 0)),
      ],
      out_specs=[
          pl.BlockSpec((BLK, D), lambda i: (i, 0)),
          pl.BlockSpec((BLK, 16), lambda i: (i, 0)),
      ],
      out_shape=[
          jax.ShapeDtypeStruct((N_NODES, D), jnp.float32),
          jax.ShapeDtypeStruct((N_NODES, 16), jnp.float32),
      ],
  )(x, s_part, c_part, W, b)


def _update2(x, s_part, inv, W, b):
  return pl.pallas_call(
      _update2_body,
      grid=(GRID,),
      in_specs=[
          pl.BlockSpec((BLK, D), lambda i: (i, 0)),
          pl.BlockSpec((NUM_CORES, BLK, D), lambda i: (0, i, 0)),
          pl.BlockSpec((BLK, 16), lambda i: (i, 0)),
          pl.BlockSpec((2 * D, D), lambda i: (0, 0)),
          pl.BlockSpec((1, D), lambda i: (0, 0)),
      ],
      out_specs=pl.BlockSpec((BLK, D), lambda i: (i, 0)),
      out_shape=jax.ShapeDtypeStruct((N_NODES, D), jnp.float32),
  )(x, s_part, inv, W, b)


def kernel(x, edge_index, W1, b1, W2, b2):
  src = edge_index[0].astype(jnp.int32).reshape(NW, NBLK, BLKC, CHUNK)
  dst = edge_index[1].astype(jnp.int32).reshape(NW, NBLK, BLKC, CHUNK)
  b1r = b1.reshape(1, D)
  b2r = b2.reshape(1, D)
  zrow = jnp.zeros((ROWS_PER_TILE, D), jnp.float32)
  zcnt = jnp.zeros((ROWS_PER_TILE, 16), jnp.float32)
  ones = jnp.ones((CHUNK, 16), jnp.float32)
  s1, c1 = _aggregate_count(x, src, dst, zrow, zcnt, ones)
  h, inv = _update1(x, s1, c1, W1, b1r)
  (s2,) = _aggregate(h, src, dst, zrow, zcnt, ones)
  out = _update2(h, s2, inv, W2, b2r)
  return out

# --- scband reference (transcript-rebuilt; emitter-appended) ---
"""Pipeline reference for scband-graph-sage-51651276702105 (READ-ONLY COPY).

The authoritative reference and input builder live on the scoring server;
editing this copy changes nothing except your own understanding.
"""

import jax, jax.numpy as jnp
import numpy as np

N_NODES = 10000
N_EDGES = 320000
D_FEAT = 128
HIDDEN = 128

def setup_inputs(seed: int = 0) -> dict:
    key = jax.random.key(seed)
    k1, k2, k3, k4, k5, k6 = jax.random.split(key, 6)
    x = jax.random.normal(k1, (N_NODES, D_FEAT), dtype=jnp.float32)
    edge_index = jax.random.randint(k2, (2, N_EDGES), 0, N_NODES, dtype=jnp.int64)
    # Linear(in*2, out) weights stored as [2*in, out] for x @ W + b
    W1 = jax.random.normal(k3, (2 * D_FEAT, HIDDEN), dtype=jnp.float32) * (1.0 / np.sqrt(2 * D_FEAT))
    b1 = jax.random.normal(k4, (HIDDEN,), dtype=jnp.float32) * 0.01
    W2 = jax.random.normal(k5, (2 * HIDDEN, HIDDEN), dtype=jnp.float32) * (1.0 / np.sqrt(2 * HIDDEN))
    b2 = jax.random.normal(k6, (HIDDEN,), dtype=jnp.float32) * 0.01
    return {"x": x, "edge_index": edge_index, "W1": W1, "b1": b1, "W2": W2, "b2": b2}

def _sage_layer(x, src, dst, W, b, n_nodes):
    # message: x_j = x[src]
    msg = jnp.take(x, src, axis=0)
    # aggr='mean': scatter-add then divide by in-degree (0 where no edges, PyG semantics)
    s = jax.ops.segment_sum(msg, dst, num_segments=n_nodes)
    cnt = jax.ops.segment_sum(jnp.ones((msg.shape[0], 1), dtype=x.dtype), dst, num_segments=n_nodes)
    mean = jnp.where(cnt > 0, s / jnp.maximum(cnt, 1.0), 0.0)
    # update: concat [x_self, aggr_out], linear, relu
    h = jnp.concatenate([x, mean], axis=1) @ W + b
    return jax.nn.relu(h)

def reference(x, edge_index, W1, b1, W2, b2):
    src = edge_index[0]
    dst = edge_index[1]
    n = x.shape[0]
    h = _sage_layer(x, src, dst, W1, b1, n)
    h = jax.nn.relu(h)
    # F.dropout in eval mode is identity (omitted)
    out = _sage_layer(h, src, dst, W2, b2, n)
    return out

if __name__ == "__main__":
    import jax
    _d = setup_inputs()
    print(jax.jit(kernel)(*tuple(_d.values())))

</pallas_src>

<mosaic_0001>
#map = affine_map<(d0, d1) -> (0, 0)>
#map1 = affine_map<(d0, d1) -> (0, 0, 0, 0)>
#map2 = affine_map<(d0, d1) -> (0, 0, 0)>
module attributes {stable_mosaic.version = 14 : i64} {
  func.func @body(%arg0: i32, %arg1: i32, %arg2: memref<10000x128xf32, #tpu.memory_space<hbm>>, %arg3: memref<32x5x40x50xi32, #tpu.memory_space<hbm>>, %arg4: memref<32x5x40x50xi32, #tpu.memory_space<hbm>>, %arg5: memref<640x128xf32, #tpu.memory_space<hbm>>, %arg6: memref<640x16xf32, #tpu.memory_space<hbm>>, %arg7: memref<50x16xf32, #tpu.memory_space<hbm>>, %arg8: memref<2x10240x128xf32, #tpu.memory_space<hbm>>, %arg9: memref<40x50xi32, #tpu.memory_space<vmem>>, %arg10: memref<40x50xi32, #tpu.memory_space<vmem>>, %arg11: memref<50x128xf32, #tpu.memory_space<vmem>>, %arg12: memref<50x128xf32, #tpu.memory_space<vmem>>, %arg13: memref<50x128xf32, #tpu.memory_space<vmem>>, %arg14: memref<50x128xf32, #tpu.memory_space<vmem>>, %arg15: memref<50x128xf32, #tpu.memory_space<vmem>>, %arg16: memref<10240x128xf32, #tpu.memory_space<vmem_shared>>, %arg17: memref<!tpu.dma_semaphore, #tpu.memory_space<semaphore_mem>>, %arg18: memref<!tpu.dma_semaphore, #tpu.memory_space<semaphore_mem>>, %arg19: memref<!tpu.dma_semaphore, #tpu.memory_space<semaphore_mem>>, %arg20: memref<!tpu.dma_semaphore, #tpu.memory_space<semaphore_mem>>, %arg21: memref<!tpu.dma_semaphore, #tpu.memory_space<semaphore_mem>>) attributes {dimension_semantics = [#tpu.dimension_semantics<core_parallel>, #tpu.dimension_semantics<subcore_parallel>], iteration_bounds = array<i64: 2, 16>, scalar_prefetch = 0 : i64, scratch_operands = 13 : i64, tpu.core_type = #tpu.core_type<sc_vector_subcore>, window_params = [{transform_indices = #map}, {transform_indices = #map1}, {transform_indices = #map1}, {transform_indices = #map}, {transform_indices = #map}, {transform_indices = #map}, {transform_indices = #map2}]} {
    %mul3A = arith.constant 16 : i32
    %mul3A_0 = arith.muli %arg0, %mul3A : i32
    %add3A = arith.addi %mul3A_0, %arg1 : i32
    %mul3A_1 = arith.constant 640 : i32
    %mul3A_2 = arith.muli %arg1, %mul3A_1 : i32
    "tpu.region"() ({
      %run_scoped3A = tpu.sem_alloc : memref<!tpu.dma_semaphore, #tpu.memory_space<semaphore_mem>>
      %dma_start3A = arith.constant 0 : i32
      %dma_start3A_10 = tpu.memref_slice %arg16[%mul3A_2, %dma_start3A] : memref<10240x128xf32, #tpu.memory_space<vmem_shared>> -> memref<640x128xf32, #tpu.memory_space<vmem_shared>>
      tpu.enqueue_dma source(%arg5 : memref<640x128xf32, #tpu.memory_space<hbm>>) target(%dma_start3A_10 : memref<640x128xf32, #tpu.memory_space<vmem_shared>>) target_semaphore(%run_scoped3A : memref<!tpu.dma_semaphore, #tpu.memory_space<semaphore_mem>>)
      %dma_wait3A = arith.constant 0 : i32
      %dma_wait3A_11 = tpu.memref_slice %arg16[%mul3A_2, %dma_wait3A] : memref<10240x128xf32, #tpu.memory_space<vmem_shared>> -> memref<640x128xf32, #tpu.memory_space<vmem_shared>>
      tpu.wait_dma2 semaphore(%run_scoped3A : memref<!tpu.dma_semaphore, #tpu.memory_space<semaphore_mem>>) src(%arg5 : memref<640x128xf32, #tpu.memory_space<hbm>>) dst(%dma_wait3A_11 : memref<640x128xf32, #tpu.memory_space<vmem_shared>>)
      tpu.yield
    }) : () -> ()
    %barrier3A = arith.constant 0 : index
    tpu.barrier barrier_id(%barrier3A)
    %scan3A = arith.constant 0 : i32
    %scan3A_3 = arith.constant 0 : i32
    %scan3A_4 = arith.constant 5 : i32
    %scan3A_5 = arith.addi %scan3A_3, %scan3A_4 : i32
    %scan3A_6 = arith.constant 1 : i32
    %scan3A_7 = scf.for %scan3A_10 = %scan3A_3 to %scan3A_5 step %scan3A_6 iter_args(%scan3A_11 = %scan3A) -> (i32)  : i32 {
      "tpu.region"() ({
        %run_scoped3A = tpu.sem_alloc : memref<!tpu.dma_semaphore, #tpu.memory_space<semaphore_mem>>
        %dma_start3A_54 = arith.constant 0 : i32
        %dma_start3A_55 = arith.constant 0 : i32
        %dma_start3A_56 = tpu.memref_slice %arg3[%add3A, %scan3A_10, %dma_start3A_54, %dma_start3A_55] : memref<32x5x40x50xi32, #tpu.memory_space<hbm>> -> memref<1x1x40x50xi32, #tpu.memory_space<hbm>>
        %dma_start3A_57 = tpu.memref_squeeze %dma_start3A_56 : memref<1x1x40x50xi32, #tpu.memory_space<hbm>> -> memref<40x50xi32, #tpu.memory_space<hbm>>
        %dma_start3A_58 = arith.constant 0 : i32
        %dma_start3A_59 = arith.constant 0 : i32
        %dma_start3A_60 = tpu.memref_slice %arg3[%add3A, %scan3A_10, %dma_start3A_58, %dma_start3A_59] : memref<32x5x40x50xi32, #tpu.memory_space<hbm>> -> memref<1x1x40x50xi32, #tpu.memory_space<hbm>>
        %dma_start3A_61 = tpu.memref_squeeze %dma_start3A_60 : memref<1x1x40x50xi32, #tpu.memory_space<hbm>> -> memref<40x50xi32, #tpu.memory_space<hbm>>
        tpu.enqueue_dma source(%dma_start3A_61 : memref<40x50xi32, #tpu.memory_space<hbm>>) target(%arg9 : memref<40x50xi32, #tpu.memory_space<vmem>>) target_semaphore(%run_scoped3A : memref<!tpu.dma_semaphore, #tpu.memory_space<semaphore_mem>>)
        %dma_wait3A = arith.constant 0 : i32
        %dma_wait3A_62 = arith.constant 0 : i32
        %dma_wait3A_63 = tpu.memref_slice %arg3[%add3A, %scan3A_10, %dma_wait3A, %dma_wait3A_62] : memref<32x5x40x50xi32, #tpu.memory_space<hbm>> -> memref<1x1x40x50xi32, #tpu.memory_space<hbm>>
        %dma_wait3A_64 = tpu.memref_squeeze %dma_wait3A_63 : memref<1x1x40x50xi32, #tpu.memory_space<hbm>> -> memref<40x50xi32, #tpu.memory_space<hbm>>
        %dma_wait3A_65 = arith.constant 0 : i32
        %dma_wait3A_66 = arith.constant 0 : i32
        %dma_wait3A_67 = tpu.memref_slice %arg3[%add3A, %scan3A_10, %dma_wait3A_65, %dma_wait3A_66] : memref<32x5x40x50xi32, #tpu.memory_space<hbm>> -> memref<1x1x40x50xi32, #tpu.memory_space<hbm>>
        %dma_wait3A_68 = tpu.memref_squeeze %dma_wait3A_67 : memref<1x1x40x50xi32, #tpu.memory_space<hbm>> -> memref<40x50xi32, #tpu.memory_space<hbm>>
        tpu.wait_dma2 semaphore(%run_scoped3A : memref<!tpu.dma_semaphore, #tpu.memory_space<semaphore_mem>>) src(%dma_wait3A_68 : memref<40x50xi32, #tpu.memory_space<hbm>>) dst(%arg9 : memref<40x50xi32, #tpu.memory_space<vmem>>)
        tpu.yield
      }) : () -> ()
      "tpu.region"() ({
        %run_scoped3A = tpu.sem_alloc : memref<!tpu.dma_semaphore, #tpu.memory_space<semaphore_mem>>
        %dma_start3A_54 = arith.constant 0 : i32
        %dma_start3A_55 = arith.constant 0 : i32
        %dma_start3A_56 = tpu.memref_slice %arg4[%add3A, %scan3A_10, %dma_start3A_54, %dma_start3A_55] : memref<32x5x40x50xi32, #tpu.memory_space<hbm>> -> memref<1x1x40x50xi32, #tpu.memory_space<hbm>>
        %dma_start3A_57 = tpu.memref_squeeze %dma_start3A_56 : memref<1x1x40x50xi32, #tpu.memory_space<hbm>> -> memref<40x50xi32, #tpu.memory_space<hbm>>
        %dma_start3A_58 = arith.constant 0 : i32
        %dma_start3A_59 = arith.constant 0 : i32
        %dma_start3A_60 = tpu.memref_slice %arg4[%add3A, %scan3A_10, %dma_start3A_58, %dma_start3A_59] : memref<32x5x40x50xi32, #tpu.memory_space<hbm>> -> memref<1x1x40x50xi32, #tpu.memory_space<hbm>>
        %dma_start3A_61 = tpu.memref_squeeze %dma_start3A_60 : memref<1x1x40x50xi32, #tpu.memory_space<hbm>> -> memref<40x50xi32, #tpu.memory_space<hbm>>
        tpu.enqueue_dma source(%dma_start3A_61 : memref<40x50xi32, #tpu.memory_space<hbm>>) target(%arg10 : memref<40x50xi32, #tpu.memory_space<vmem>>) target_semaphore(%run_scoped3A : memref<!tpu.dma_semaphore, #tpu.memory_space<semaphore_mem>>)
        %dma_wait3A = arith.constant 0 : i32
        %dma_wait3A_62 = arith.constant 0 : i32
        %dma_wait3A_63 = tpu.memref_slice %arg4[%add3A, %scan3A_10, %dma_wait3A, %dma_wait3A_62] : memref<32x5x40x50xi32, #tpu.memory_space<hbm>> -> memref<1x1x40x50xi32, #tpu.memory_space<hbm>>
        %dma_wait3A_64 = tpu.memref_squeeze %dma_wait3A_63 : memref<1x1x40x50xi32, #tpu.memory_space<hbm>> -> memref<40x50xi32, #tpu.memory_space<hbm>>
        %dma_wait3A_65 = arith.constant 0 : i32
        %dma_wait3A_66 = arith.constant 0 : i32
        %dma_wait3A_67 = tpu.memref_slice %arg4[%add3A, %scan3A_10, %dma_wait3A_65, %dma_wait3A_66] : memref<32x5x40x50xi32, #tpu.memory_space<hbm>> -> memref<1x1x40x50xi32, #tpu.memory_space<hbm>>
        %dma_wait3A_68 = tpu.memref_squeeze %dma_wait3A_67 : memref<1x1x40x50xi32, #tpu.memory_space<hbm>> -> memref<40x50xi32, #tpu.memory_space<hbm>>
        tpu.wait_dma2 semaphore(%run_scoped3A : memref<!tpu.dma_semaphore, #tpu.memory_space<semaphore_mem>>) src(%dma_wait3A_68 : memref<40x50xi32, #tpu.memory_space<hbm>>) dst(%arg10 : memref<40x50xi32, #tpu.memory_space<vmem>>)
        tpu.yield
      }) : () -> ()
      %dma_start3A = arith.constant 0 : i32
      %dma_start3A_12 = arith.constant 0 : i32
      %dma_start3A_13 = tpu.memref_slice %arg9[%dma_start3A, %dma_start3A_12] : memref<40x50xi32, #tpu.memory_space<vmem>> -> memref<1x50xi32, #tpu.memory_space<vmem>>
      %dma_start3A_14 = tpu.memref_squeeze %dma_start3A_13 : memref<1x50xi32, #tpu.memory_space<vmem>> -> memref<50xi32, #tpu.memory_space<vmem>>
      %dma_start3A_15 = arith.constant 0 : i32
      %dma_start3A_16 = arith.constant 0 : i32
      %dma_start3A_17 = tpu.memref_slice %arg2[%dma_start3A_15, %dma_start3A_16] : memref<10000x128xf32, #tpu.memory_space<hbm>> -> memref<10000x128xf32, #tpu.memory_space<hbm>>
      tpu.enqueue_indirect_dma source(%dma_start3A_17 : memref<10000x128xf32, #tpu.memory_space<hbm>>) target(%arg11 : memref<50x128xf32, #tpu.memory_space<vmem>>) offsets(%dma_start3A_14 : memref<50xi32, #tpu.memory_space<vmem>>) semaphore(%arg17 : memref<!tpu.dma_semaphore, #tpu.memory_space<semaphore_mem>>)
      %dma_start3A_18 = arith.constant 1 : i32
      %dma_start3A_19 = arith.constant 0 : i32
      %dma_start3A_20 = tpu.memref_slice %arg9[%dma_start3A_18, %dma_start3A_19] : memref<40x50xi32, #tpu.memory_space<vmem>> -> memref<1x50xi32, #tpu.memory_space<vmem>>
      %dma_start3A_21 = tpu.memref_squeeze %dma_start3A_20 : memref<1x50xi32, #tpu.memory_space<vmem>> -> memref<50xi32, #tpu.memory_space<vmem>>
      %dma_start3A_22 = arith.constant 0 : i32
      %dma_start3A_23 = arith.constant 0 : i32
      %dma_start3A_24 = tpu.memref_slice %arg2[%dma_start3A_22, %dma_start3A_23] : memref<10000x128xf32, #tpu.memory_space<hbm>> -> memref<10000x128xf32, #tpu.memory_space<hbm>>
      tpu.enqueue_indirect_dma source(%dma_start3A_24 : memref<10000x128xf32, #tpu.memory_space<hbm>>) target(%arg12 : memref<50x128xf32, #tpu.memory_space<vmem>>) offsets(%dma_start3A_21 : memref<50xi32, #tpu.memory_space<vmem>>) semaphore(%arg18 : memref<!tpu.dma_semaphore, #tpu.memory_space<semaphore_mem>>)
      %dma_start3A_25 = arith.constant 2 : i32
      %dma_start3A_26 = arith.constant 0 : i32
      %dma_start3A_27 = tpu.memref_slice %arg9[%dma_start3A_25, %dma_start3A_26] : memref<40x50xi32, #tpu.memory_space<vmem>> -> memref<1x50xi32, #tpu.memory_space<vmem>>
      %dma_start3A_28 = tpu.memref_squeeze %dma_start3A_27 : memref<1x50xi32, #tpu.memory_space<vmem>> -> memref<50xi32, #tpu.memory_space<vmem>>
      %dma_start3A_29 = arith.constant 0 : i32
      %dma_start3A_30 = arith.constant 0 : i32
      %dma_start3A_31 = tpu.memref_slice %arg2[%dma_start3A_29, %dma_start3A_30] : memref<10000x128xf32, #tpu.memory_space<hbm>> -> memref<10000x128xf32, #tpu.memory_space<hbm>>
      tpu.enqueue_indirect_dma source(%dma_start3A_31 : memref<10000x128xf32, #tpu.memory_space<hbm>>) target(%arg13 : memref<50x128xf32, #tpu.memory_space<vmem>>) offsets(%dma_start3A_28 : memref<50xi32, #tpu.memory_space<vmem>>) semaphore(%arg19 : memref<!tpu.dma_semaphore, #tpu.memory_space<semaphore_mem>>)
      %dma_start3A_32 = arith.constant 3 : i32
      %dma_start3A_33 = arith.constant 0 : i32
      %dma_start3A_34 = tpu.memref_slice %arg9[%dma_start3A_32, %dma_start3A_33] : memref<40x50xi32, #tpu.memory_space<vmem>> -> memref<1x50xi32, #tpu.memory_space<vmem>>
      %dma_start3A_35 = tpu.memref_squeeze %dma_start3A_34 : memref<1x50xi32, #tpu.memory_space<vmem>> -> memref<50xi32, #tpu.memory_space<vmem>>
      %dma_start3A_36 = arith.constant 0 : i32
      %dma_start3A_37 = arith.constant 0 : i32
      %dma_start3A_38 = tpu.memref_slice %arg2[%dma_start3A_36, %dma_start3A_37] : memref<10000x128xf32, #tpu.memory_space<hbm>> -> memref<10000x128xf32, #tpu.memory_space<hbm>>
      tpu.enqueue_indirect_dma source(%dma_start3A_38 : memref<10000x128xf32, #tpu.memory_space<hbm>>) target(%arg14 : memref<50x128xf32, #tpu.memory_space<vmem>>) offsets(%dma_start3A_35 : memref<50xi32, #tpu.memory_space<vmem>>) semaphore(%arg20 : memref<!tpu.dma_semaphore, #tpu.memory_space<semaphore_mem>>)
      %dma_start3A_39 = arith.constant 4 : i32
      %dma_start3A_40 = arith.constant 0 : i32
      %dma_start3A_41 = tpu.memref_slice %arg9[%dma_start3A_39, %dma_start3A_40] : memref<40x50xi32, #tpu.memory_space<vmem>> -> memref<1x50xi32, #tpu.memory_space<vmem>>
      %dma_start3A_42 = tpu.memref_squeeze %dma_start3A_41 : memref<1x50xi32, #tpu.memory_space<vmem>> -> memref<50xi32, #tpu.memory_space<vmem>>
      %dma_start3A_43 = arith.constant 0 : i32
      %dma_start3A_44 = arith.constant 0 : i32
      %dma_start3A_45 = tpu.memref_slice %arg2[%dma_start3A_43, %dma_start3A_44] : memref<10000x128xf32, #tpu.memory_space<hbm>> -> memref<10000x128xf32, #tpu.memory_space<hbm>>
      tpu.enqueue_indirect_dma source(%dma_start3A_45 : memref<10000x128xf32, #tpu.memory_space<hbm>>) target(%arg15 : memref<50x128xf32, #tpu.memory_space<vmem>>) offsets(%dma_start3A_42 : memref<50xi32, #tpu.memory_space<vmem>>) semaphore(%arg21 : memref<!tpu.dma_semaphore, #tpu.memory_space<semaphore_mem>>)
      %scan3A_46 = arith.constant 0 : i32
      %scan3A_47 = arith.constant 0 : i32
      %scan3A_48 = arith.constant 8 : i32
      %scan3A_49 = arith.addi %scan3A_47, %scan3A_48 : i32
      %scan3A_50 = arith.constant 1 : i32
      %scan3A_51 = scf.for %scan3A_54 = %scan3A_47 to %scan3A_49 step %scan3A_50 iter_args(%scan3A_55 = %scan3A_46) -> (i32)  : i32 {
        %mul3A_56 = arith.constant 5 : i32
        %mul3A_57 = arith.muli %mul3A_56, %scan3A_54 : i32
        %add3A_58 = arith.constant 0 : i32
        %add3A_59 = arith.addi %mul3A_57, %add3A_58 : i32
        %dma_wait3A = arith.constant 0 : i32
        %dma_wait3A_60 = tpu.memref_slice %arg9[%add3A_59, %dma_wait3A] : memref<40x50xi32, #tpu.memory_space<vmem>> -> memref<1x50xi32, #tpu.memory_space<vmem>>
        %dma_wait3A_61 = tpu.memref_squeeze %dma_wait3A_60 : memref<1x50xi32, #tpu.memory_space<vmem>> -> memref<50xi32, #tpu.memory_space<vmem>>
        %dma_wait3A_62 = arith.constant 0 : i32
        %dma_wait3A_63 = arith.constant 0 : i32
        %dma_wait3A_64 = tpu.memref_slice %arg2[%dma_wait3A_62, %dma_wait3A_63] : memref<10000x128xf32, #tpu.memory_space<hbm>> -> memref<10000x128xf32, #tpu.memory_space<hbm>>
        tpu.wait_indirect_dma semaphore(%arg17 : memref<!tpu.dma_semaphore, #tpu.memory_space<semaphore_mem>>) src(%dma_wait3A_64 : memref<10000x128xf32, #tpu.memory_space<hbm>>) dst(%arg11 : memref<50x128xf32, #tpu.memory_space<vmem>>)
        "tpu.region"() ({
          %run_scoped3A = tpu.sem_alloc : memref<!tpu.dma_semaphore, #tpu.memory_space<semaphore_mem>>
          %dma_start3A_128 = arith.constant 0 : i32
          %dma_start3A_129 = tpu.memref_slice %arg10[%add3A_59, %dma_start3A_128] : memref<40x50xi32, #tpu.memory_space<vmem>> -> memref<1x50xi32, #tpu.memory_space<vmem>>
          %dma_start3A_130 = tpu.memref_squeeze %dma_start3A_129 : memref<1x50xi32, #tpu.memory_space<vmem>> -> memref<50xi32, #tpu.memory_space<vmem>>
          %dma_start3A_131 = arith.constant 0 : i32
          %dma_start3A_132 = arith.constant 0 : i32
          %dma_start3A_133 = tpu.memref_slice %arg16[%dma_start3A_131, %dma_start3A_132] : memref<10240x128xf32, #tpu.memory_space<vmem_shared>> -> memref<10240x128xf32, #tpu.memory_space<vmem_shared>>
          tpu.enqueue_indirect_dma source(%arg11 : memref<50x128xf32, #tpu.memory_space<vmem>>) target(%dma_start3A_133 : memref<10240x128xf32, #tpu.memory_space<vmem_shared>>) offsets(%dma_start3A_130 : memref<50xi32, #tpu.memory_space<vmem>>) semaphore(%run_scoped3A : memref<!tpu.dma_semaphore, #tpu.memory_space<semaphore_mem>>) {add = true}
          %dma_wait3A_134 = arith.constant 0 : i32
          %dma_wait3A_135 = tpu.memref_slice %arg10[%add3A_59, %dma_wait3A_134] : memref<40x50xi32, #tpu.memory_space<vmem>> -> memref<1x50xi32, #tpu.memory_space<vmem>>
          %dma_wait3A_136 = tpu.memref_squeeze %dma_wait3A_135 : memref<1x50xi32, #tpu.memory_space<vmem>> -> memref<50xi32, #tpu.memory_space<vmem>>
          %dma_wait3A_137 = arith.constant 0 : i32
          %dma_wait3A_138 = arith.constant 0 : i32
          %dma_wait3A_139 = tpu.memref_slice %arg16[%dma_wait3A_137, %dma_wait3A_138] : memref<10240x128xf32, #tpu.memory_space<vmem_shared>> -> memref<10240x128xf32, #tpu.memory_space<vmem_shared>>
          tpu.wait_indirect_dma semaphore(%run_scoped3A : memref<!tpu.dma_semaphore, #tpu.memory_space<semaphore_mem>>) src(%arg11 : memref<50x128xf32, #tpu.memory_space<vmem>>) dst(%dma_wait3A_139 : memref<10240x128xf32, #tpu.memory_space<vmem_shared>>)
          tpu.yield
        }) : () -> ()
        %lt3A = arith.constant 7 : i32
        %lt3A_65 = arith.cmpi slt, %scan3A_54, %lt3A : i32
        %convert_element_type3A = arith.extui %lt3A_65 : i1 to i32
        %cond3A = arith.constant 0 : i32
        %cond3A_66 = arith.cmpi ne, %convert_element_type3A, %cond3A : i32
        scf.if %cond3A_66 {
          %add3A_128 = arith.constant 5 : i32
          %add3A_129 = arith.addi %add3A_59, %add3A_128 : i32
          %dma_start3A_130 = arith.constant 0 : i32
          %dma_start3A_131 = tpu.memref_slice %arg9[%add3A_129, %dma_start3A_130] : memref<40x50xi32, #tpu.memory_space<vmem>> -> memref<1x50xi32, #tpu.memory_space<vmem>>
          %dma_start3A_132 = tpu.memref_squeeze %dma_start3A_131 : memref<1x50xi32, #tpu.memory_space<vmem>> -> memref<50xi32, #tpu.memory_space<vmem>>
          %dma_start3A_133 = arith.constant 0 : i32
          %dma_start3A_134 = arith.constant 0 : i32
          %dma_start3A_135 = tpu.memref_slice %arg2[%dma_start3A_133, %dma_start3A_134] : memref<10000x128xf32, #tpu.memory_space<hbm>> -> memref<10000x128xf32, #tpu.memory_space<hbm>>
          tpu.enqueue_indirect_dma source(%dma_start3A_135 : memref<10000x128xf32, #tpu.memory_space<hbm>>) target(%arg11 : memref<50x128xf32, #tpu.memory_space<vmem>>) offsets(%dma_start3A_132 : memref<50xi32, #tpu.memory_space<vmem>>) semaphore(%arg17 : memref<!tpu.dma_semaphore, #tpu.memory_space<semaphore_mem>>)
        } else {
        }
        %mul3A_67 = arith.constant 5 : i32
        %mul3A_68 = arith.muli %mul3A_67, %scan3A_54 : i32
        %add3A_69 = arith.constant 1 : i32
        %add3A_70 = arith.addi %mul3A_68, %add3A_69 : i32
        %dma_wait3A_71 = arith.constant 0 : i32
        %dma_wait3A_72 = tpu.memref_slice %arg9[%add3A_70, %dma_wait3A_71] : memref<40x50xi32, #tpu.memory_space<vmem>> -> memref<1x50xi32, #tpu.memory_space<vmem>>
        %dma_wait3A_73 = tpu.memref_squeeze %dma_wait3A_72 : memref<1x50xi32, #tpu.memory_space<vmem>> -> memref<50xi32, #tpu.memory_space<vmem>>
        %dma_wait3A_74 = arith.constant 0 : i32
        %dma_wait3A_75 = arith.constant 0 : i32
        %dma_wait3A_76 = tpu.memref_slice %arg2[%dma_wait3A_74, %dma_wait3A_75] : memref<10000x128xf32, #tpu.memory_space<hbm>> -> memref<10000x128xf32, #tpu.memory_space<hbm>>
        tpu.wait_indirect_dma semaphore(%arg18 : memref<!tpu.dma_semaphore, #tpu.memory_space<semaphore_mem>>) src(%dma_wait3A_76 : memref<10000x128xf32, #tpu.memory_space<hbm>>) dst(%arg12 : memref<50x128xf32, #tpu.memory_space<vmem>>)
        "tpu.region"() ({
          %run_scoped3A = tpu.sem_alloc : memref<!tpu.dma_semaphore, #tpu.memory_space<semaphore_mem>>
          %dma_start3A_128 = arith.constant 0 : i32
          %dma_start3A_129 = tpu.memref_slice %arg10[%add3A_70, %dma_start3A_128] : memref<40x50xi32, #tpu.memory_space<vmem>> -> memref<1x50xi32, #tpu.memory_space<vmem>>
          %dma_start3A_130 = tpu.memref_squeeze %dma_start3A_129 : memref<1x50xi32, #tpu.memory_space<vmem>> -> memref<50xi32, #tpu.memory_space<vmem>>
          %dma_start3A_131 = arith.constant 0 : i32
          %dma_start3A_132 = arith.constant 0 : i32
          %dma_start3A_133 = tpu.memref_slice %arg16[%dma_start3A_131, %dma_start3A_132] : memref<10240x128xf32, #tpu.memory_space<vmem_shared>> -> memref<10240x128xf32, #tpu.memory_space<vmem_shared>>
          tpu.enqueue_indirect_dma source(%arg12 : memref<50x128xf32, #tpu.memory_space<vmem>>) target(%dma_start3A_133 : memref<10240x128xf32, #tpu.memory_space<vmem_shared>>) offsets(%dma_start3A_130 : memref<50xi32, #tpu.memory_space<vmem>>) semaphore(%run_scoped3A : memref<!tpu.dma_semaphore, #tpu.memory_space<semaphore_mem>>) {add = true}
          %dma_wait3A_134 = arith.constant 0 : i32
          %dma_wait3A_135 = tpu.memref_slice %arg10[%add3A_70, %dma_wait3A_134] : memref<40x50xi32, #tpu.memory_space<vmem>> -> memref<1x50xi32, #tpu.memory_space<vmem>>
          %dma_wait3A_136 = tpu.memref_squeeze %dma_wait3A_135 : memref<1x50xi32, #tpu.memory_space<vmem>> -> memref<50xi32, #tpu.memory_space<vmem>>
          %dma_wait3A_137 = arith.constant 0 : i32
          %dma_wait3A_138 = arith.constant 0 : i32
          %dma_wait3A_139 = tpu.memref_slice %arg16[%dma_wait3A_137, %dma_wait3A_138] : memref<10240x128xf32, #tpu.memory_space<vmem_shared>> -> memref<10240x128xf32, #tpu.memory_space<vmem_shared>>
          tpu.wait_indirect_dma semaphore(%run_scoped3A : memref<!tpu.dma_semaphore, #tpu.memory_space<semaphore_mem>>) src(%arg12 : memref<50x128xf32, #tpu.memory_space<vmem>>) dst(%dma_wait3A_139 : memref<10240x128xf32, #tpu.memory_space<vmem_shared>>)
          tpu.yield
        }) : () -> ()
        %lt3A_77 = arith.constant 7 : i32
        %lt3A_78 = arith.cmpi slt, %scan3A_54, %lt3A_77 : i32
        %convert_element_type3A_79 = arith.extui %lt3A_78 : i1 to i32
        %cond3A_80 = arith.constant 0 : i32
        %cond3A_81 = arith.cmpi ne, %convert_element_type3A_79, %cond3A_80 : i32
        scf.if %cond3A_81 {
          %add3A_128 = arith.constant 5 : i32
          %add3A_129 = arith.addi %add3A_70, %add3A_128 : i32
          %dma_start3A_130 = arith.constant 0 : i32
          %dma_start3A_131 = tpu.memref_slice %arg9[%add3A_129, %dma_start3A_130] : memref<40x50xi32, #tpu.memory_space<vmem>> -> memref<1x50xi32, #tpu.memory_space<vmem>>
          %dma_start3A_132 = tpu.memref_squeeze %dma_start3A_131 : memref<1x50xi32, #tpu.memory_space<vmem>> -> memref<50xi32, #tpu.memory_space<vmem>>
          %dma_start3A_133 = arith.constant 0 : i32
          %dma_start3A_134 = arith.constant 0 : i32
          %dma_start3A_135 = tpu.memref_slice %arg2[%dma_start3A_133, %dma_start3A_134] : memref<10000x128xf32, #tpu.memory_space<hbm>> -> memref<10000x128xf32, #tpu.memory_space<hbm>>
          tpu.enqueue_indirect_dma source(%dma_start3A_135 : memref<10000x128xf32, #tpu.memory_space<hbm>>) target(%arg12 : memref<50x128xf32, #tpu.memory_space<vmem>>) offsets(%dma_start3A_132 : memref<50xi32, #tpu.memory_space<vmem>>) semaphore(%arg18 : memref<!tpu.dma_semaphore, #tpu.memory_space<semaphore_mem>>)
        } else {
        }
        %mul3A_82 = arith.constant 5 : i32
        %mul3A_83 = arith.muli %mul3A_82, %scan3A_54 : i32
        %add3A_84 = arith.constant 2 : i32
        %add3A_85 = arith.addi %mul3A_83, %add3A_84 : i32
        %dma_wait3A_86 = arith.constant 0 : i32
        %dma_wait3A_87 = tpu.memref_slice %arg9[%add3A_85, %dma_wait3A_86] : memref<40x50xi32, #tpu.memory_space<vmem>> -> memref<1x50xi32, #tpu.memory_space<vmem>>
        %dma_wait3A_88 = tpu.memref_squeeze %dma_wait3A_87 : memref<1x50xi32, #tpu.memory_space<vmem>> -> memref<50xi32, #tpu.memory_space<vmem>>
        %dma_wait3A_89 = arith.constant 0 : i32
        %dma_wait3A_90 = arith.constant 0 : i32
        %dma_wait3A_91 = tpu.memref_slice %arg2[%dma_wait3A_89, %dma_wait3A_90] : memref<10000x128xf32, #tpu.memory_space<hbm>> -> memref<10000x128xf32, #tpu.memory_space<hbm>>
        tpu.wait_indirect_dma semaphore(%arg19 : memref<!tpu.dma_semaphore, #tpu.memory_space<semaphore_mem>>) src(%dma_wait3A_91 : memref<10000x128xf32, #tpu.memory_space<hbm>>) dst(%arg13 : memref<50x128xf32, #tpu.memory_space<vmem>>)
        "tpu.region"() ({
          %run_scoped3A = tpu.sem_alloc : memref<!tpu.dma_semaphore, #tpu.memory_space<semaphore_mem>>
          %dma_start3A_128 = arith.constant 0 : i32
          %dma_start3A_129 = tpu.memref_slice %arg10[%add3A_85, %dma_start3A_128] : memref<40x50xi32, #tpu.memory_space<vmem>> -> memref<1x50xi32, #tpu.memory_space<vmem>>
          %dma_start3A_130 = tpu.memref_squeeze %dma_start3A_129 : memref<1x50xi32, #tpu.memory_space<vmem>> -> memref<50xi32, #tpu.memory_space<vmem>>
          %dma_start3A_131 = arith.constant 0 : i32
          %dma_start3A_132 = arith.constant 0 : i32
          %dma_start3A_133 = tpu.memref_slice %arg16[%dma_start3A_131, %dma_start3A_132] : memref<10240x128xf32, #tpu.memory_space<vmem_shared>> -> memref<10240x128xf32, #tpu.memory_space<vmem_shared>>
          tpu.enqueue_indirect_dma source(%arg13 : memref<50x128xf32, #tpu.memory_space<vmem>>) target(%dma_start3A_133 : memref<10240x128xf32, #tpu.memory_space<vmem_shared>>) offsets(%dma_start3A_130 : memref<50xi32, #tpu.memory_space<vmem>>) semaphore(%run_scoped3A : memref<!tpu.dma_semaphore, #tpu.memory_space<semaphore_mem>>) {add = true}
          %dma_wait3A_134 = arith.constant 0 : i32
          %dma_wait3A_135 = tpu.memref_slice %arg10[%add3A_85, %dma_wait3A_134] : memref<40x50xi32, #tpu.memory_space<vmem>> -> memref<1x50xi32, #tpu.memory_space<vmem>>
          %dma_wait3A_136 = tpu.memref_squeeze %dma_wait3A_135 : memref<1x50xi32, #tpu.memory_space<vmem>> -> memref<50xi32, #tpu.memory_space<vmem>>
          %dma_wait3A_137 = arith.constant 0 : i32
          %dma_wait3A_138 = arith.constant 0 : i32
          %dma_wait3A_139 = tpu.memref_slice %arg16[%dma_wait3A_137, %dma_wait3A_138] : memref<10240x128xf32, #tpu.memory_space<vmem_shared>> -> memref<10240x128xf32, #tpu.memory_space<vmem_shared>>
          tpu.wait_indirect_dma semaphore(%run_scoped3A : memref<!tpu.dma_semaphore, #tpu.memory_space<semaphore_mem>>) src(%arg13 : memref<50x128xf32, #tpu.memory_space<vmem>>) dst(%dma_wait3A_139 : memref<10240x128xf32, #tpu.memory_space<vmem_shared>>)
          tpu.yield
        }) : () -> ()
        %lt3A_92 = arith.constant 7 : i32
        %lt3A_93 = arith.cmpi slt, %scan3A_54, %lt3A_92 : i32
        %convert_element_type3A_94 = arith.extui %lt3A_93 : i1 to i32
        %cond3A_95 = arith.constant 0 : i32
        %cond3A_96 = arith.cmpi ne, %convert_element_type3A_94, %cond3A_95 : i32
        scf.if %cond3A_96 {
          %add3A_128 = arith.constant 5 : i32
          %add3A_129 = arith.addi %add3A_85, %add3A_128 : i32
          %dma_start3A_130 = arith.constant 0 : i32
          %dma_start3A_131 = tpu.memref_slice %arg9[%add3A_129, %dma_start3A_130] : memref<40x50xi32, #tpu.memory_space<vmem>> -> memref<1x50xi32, #tpu.memory_space<vmem>>
          %dma_start3A_132 = tpu.memref_squeeze %dma_start3A_131 : memref<1x50xi32, #tpu.memory_space<vmem>> -> memref<50xi32, #tpu.memory_space<vmem>>
          %dma_start3A_133 = arith.constant 0 : i32
          %dma_start3A_134 = arith.constant 0 : i32
          %dma_start3A_135 = tpu.memref_slice %arg2[%dma_start3A_133, %dma_start3A_134] : memref<10000x128xf32, #tpu.memory_space<hbm>> -> memref<10000x128xf32, #tpu.memory_space<hbm>>
          tpu.enqueue_indirect_dma source(%dma_start3A_135 : memref<10000x128xf32, #tpu.memory_space<hbm>>) target(%arg13 : memref<50x128xf32, #tpu.memory_space<vmem>>) offsets(%dma_start3A_132 : memref<50xi32, #tpu.memory_space<vmem>>) semaphore(%arg19 : memref<!tpu.dma_semaphore, #tpu.memory_space<semaphore_mem>>)
        } else {
        }
        %mul3A_97 = arith.constant 5 : i32
        %mul3A_98 = arith.muli %mul3A_97, %scan3A_54 : i32
        %add3A_99 = arith.constant 3 : i32
        %add3A_100 = arith.addi %mul3A_98, %add3A_99 : i32
        %dma_wait3A_101 = arith.constant 0 : i32
        %dma_wait3A_102 = tpu.memref_slice %arg9[%add3A_100, %dma_wait3A_101] : memref<40x50xi32, #tpu.memory_space<vmem>> -> memref<1x50xi32, #tpu.memory_space<vmem>>
        %dma_wait3A_103 = tpu.memref_squeeze %dma_wait3A_102 : memref<1x50xi32, #tpu.memory_space<vmem>> -> memref<50xi32, #tpu.memory_space<vmem>>
        %dma_wait3A_104 = arith.constant 0 : i32
        %dma_wait3A_105 = arith.constant 0 : i32
        %dma_wait3A_106 = tpu.memref_slice %arg2[%dma_wait3A_104, %dma_wait3A_105] : memref<10000x128xf32, #tpu.memory_space<hbm>> -> memref<10000x128xf32, #tpu.memory_space<hbm>>
        tpu.wait_indirect_dma semaphore(%arg20 : memref<!tpu.dma_semaphore, #tpu.memory_space<semaphore_mem>>) src(%dma_wait3A_106 : memref<10000x128xf32, #tpu.memory_space<hbm>>) dst(%arg14 : memref<50x128xf32, #tpu.memory_space<vmem>>)
        "tpu.region"() ({
          %run_scoped3A = tpu.sem_alloc : memref<!tpu.dma_semaphore, #tpu.memory_space<semaphore_mem>>
          %dma_start3A_128 = arith.constant 0 : i32
          %dma_start3A_129 = tpu.memref_slice %arg10[%add3A_100, %dma_start3A_128] : memref<40x50xi32, #tpu.memory_space<vmem>> -> memref<1x50xi32, #tpu.memory_space<vmem>>
          %dma_start3A_130 = tpu.memref_squeeze %dma_start3A_129 : memref<1x50xi32, #tpu.memory_space<vmem>> -> memref<50xi32, #tpu.memory_space<vmem>>
          %dma_start3A_131 = arith.constant 0 : i32
          %dma_start3A_132 = arith.constant 0 : i32
          %dma_start3A_133 = tpu.memref_slice %arg16[%dma_start3A_131, %dma_start3A_132] : memref<10240x128xf32, #tpu.memory_space<vmem_shared>> -> memref<10240x128xf32, #tpu.memory_space<vmem_shared>>
          tpu.enqueue_indirect_dma source(%arg14 : memref<50x128xf32, #tpu.memory_space<vmem>>) target(%dma_start3A_133 : memref<10240x128xf32, #tpu.memory_space<vmem_shared>>) offsets(%dma_start3A_130 : memref<50xi32, #tpu.memory_space<vmem>>) semaphore(%run_scoped3A : memref<!tpu.dma_semaphore, #tpu.memory_space<semaphore_mem>>) {add = true}
          %dma_wait3A_134 = arith.constant 0 : i32
          %dma_wait3A_135 = tpu.memref_slice %arg10[%add3A_100, %dma_wait3A_134] : memref<40x50xi32, #tpu.memory_space<vmem>> -> memref<1x50xi32, #tpu.memory_space<vmem>>
          %dma_wait3A_136 = tpu.memref_squeeze %dma_wait3A_135 : memref<1x50xi32, #tpu.memory_space<vmem>> -> memref<50xi32, #tpu.memory_space<vmem>>
          %dma_wait3A_137 = arith.constant 0 : i32
          %dma_wait3A_138 = arith.constant 0 : i32
          %dma_wait3A_139 = tpu.memref_slice %arg16[%dma_wait3A_137, %dma_wait3A_138] : memref<10240x128xf32, #tpu.memory_space<vmem_shared>> -> memref<10240x128xf32, #tpu.memory_space<vmem_shared>>
          tpu.wait_indirect_dma semaphore(%run_scoped3A : memref<!tpu.dma_semaphore, #tpu.memory_space<semaphore_mem>>) src(%arg14 : memref<50x128xf32, #tpu.memory_space<vmem>>) dst(%dma_wait3A_139 : memref<10240x128xf32, #tpu.memory_space<vmem_shared>>)
          tpu.yield
        }) : () -> ()
        %lt3A_107 = arith.constant 7 : i32
        %lt3A_108 = arith.cmpi slt, %scan3A_54, %lt3A_107 : i32
        %convert_element_type3A_109 = arith.extui %lt3A_108 : i1 to i32
        %cond3A_110 = arith.constant 0 : i32
        %cond3A_111 = arith.cmpi ne, %convert_element_type3A_109, %cond3A_110 : i32
        scf.if %cond3A_111 {
          %add3A_128 = arith.constant 5 : i32
          %add3A_129 = arith.addi %add3A_100, %add3A_128 : i32
          %dma_start3A_130 = arith.constant 0 : i32
          %dma_start3A_131 = tpu.memref_slice %arg9[%add3A_129, %dma_start3A_130] : memref<40x50xi32, #tpu.memory_space<vmem>> -> memref<1x50xi32, #tpu.memory_space<vmem>>
          %dma_start3A_132 = tpu.memref_squeeze %dma_start3A_131 : memref<1x50xi32, #tpu.memory_space<vmem>> -> memref<50xi32, #tpu.memory_space<vmem>>
          %dma_start3A_133 = arith.constant 0 : i32
          %dma_start3A_134 = arith.constant 0 : i32
          %dma_start3A_135 = tpu.memref_slice %arg2[%dma_start3A_133, %dma_start3A_134] : memref<10000x128xf32, #tpu.memory_space<hbm>> -> memref<10000x128xf32, #tpu.memory_space<hbm>>
          tpu.enqueue_indirect_dma source(%dma_start3A_135 : memref<10000x128xf32, #tpu.memory_space<hbm>>) target(%arg14 : memref<50x128xf32, #tpu.memory_space<vmem>>) offsets(%dma_start3A_132 : memref<50xi32, #tpu.memory_space<vmem>>) semaphore(%arg20 : memref<!tpu.dma_semaphore, #tpu.memory_space<semaphore_mem>>)
        } else {
        }
        %mul3A_112 = arith.constant 5 : i32
        %mul3A_113 = arith.muli %mul3A_112, %scan3A_54 : i32
        %add3A_114 = arith.constant 4 : i32
        %add3A_115 = arith.addi %mul3A_113, %add3A_114 : i32
        %dma_wait3A_116 = arith.constant 0 : i32
        %dma_wait3A_117 = tpu.memref_slice %arg9[%add3A_115, %dma_wait3A_116] : memref<40x50xi32, #tpu.memory_space<vmem>> -> memref<1x50xi32, #tpu.memory_space<vmem>>
        %dma_wait3A_118 = tpu.memref_squeeze %dma_wait3A_117 : memref<1x50xi32, #tpu.memory_space<vmem>> -> memref<50xi32, #tpu.memory_space<vmem>>
        %dma_wait3A_119 = arith.constant 0 : i32
        %dma_wait3A_120 = arith.constant 0 : i32
        %dma_wait3A_121 = tpu.memref_slice %arg2[%dma_wait3A_119, %dma_wait3A_120] : memref<10000x128xf32, #tpu.memory_space<hbm>> -> memref<10000x128xf32, #tpu.memory_space<hbm>>
        tpu.wait_indirect_dma semaphore(%arg21 : memref<!tpu.dma_semaphore, #tpu.memory_space<semaphore_mem>>) src(%dma_wait3A_121 : memref<10000x128xf32, #tpu.memory_space<hbm>>) dst(%arg15 : memref<50x128xf32, #tpu.memory_space<vmem>>)
        "tpu.region"() ({
          %run_scoped3A = tpu.sem_alloc : memref<!tpu.dma_semaphore, #tpu.memory_space<semaphore_mem>>
          %dma_start3A_128 = arith.constant 0 : i32
          %dma_start3A_129 = tpu.memref_slice %arg10[%add3A_115, %dma_start3A_128] : memref<40x50xi32, #tpu.memory_space<vmem>> -> memref<1x50xi32, #tpu.memory_space<vmem>>
          %dma_start3A_130 = tpu.memref_squeeze %dma_start3A_129 : memref<1x50xi32, #tpu.memory_space<vmem>> -> memref<50xi32, #tpu.memory_space<vmem>>
          %dma_start3A_131 = arith.constant 0 : i32
          %dma_start3A_132 = arith.constant 0 : i32
          %dma_start3A_133 = tpu.memref_slice %arg16[%dma_start3A_131, %dma_start3A_132] : memref<10240x128xf32, #tpu.memory_space<vmem_shared>> -> memref<10240x128xf32, #tpu.memory_space<vmem_shared>>
          tpu.enqueue_indirect_dma source(%arg15 : memref<50x128xf32, #tpu.memory_space<vmem>>) target(%dma_start3A_133 : memref<10240x128xf32, #tpu.memory_space<vmem_shared>>) offsets(%dma_start3A_130 : memref<50xi32, #tpu.memory_space<vmem>>) semaphore(%run_scoped3A : memref<!tpu.dma_semaphore, #tpu.memory_space<semaphore_mem>>) {add = true}
          %dma_wait3A_134 = arith.constant 0 : i32
          %dma_wait3A_135 = tpu.memref_slice %arg10[%add3A_115, %dma_wait3A_134] : memref<40x50xi32, #tpu.memory_space<vmem>> -> memref<1x50xi32, #tpu.memory_space<vmem>>
          %dma_wait3A_136 = tpu.memref_squeeze %dma_wait3A_135 : memref<1x50xi32, #tpu.memory_space<vmem>> -> memref<50xi32, #tpu.memory_space<vmem>>
          %dma_wait3A_137 = arith.constant 0 : i32
          %dma_wait3A_138 = arith.constant 0 : i32
          %dma_wait3A_139 = tpu.memref_slice %arg16[%dma_wait3A_137, %dma_wait3A_138] : memref<10240x128xf32, #tpu.memory_space<vmem_shared>> -> memref<10240x128xf32, #tpu.memory_space<vmem_shared>>
          tpu.wait_indirect_dma semaphore(%run_scoped3A : memref<!tpu.dma_semaphore, #tpu.memory_space<semaphore_mem>>) src(%arg15 : memref<50x128xf32, #tpu.memory_space<vmem>>) dst(%dma_wait3A_139 : memref<10240x128xf32, #tpu.memory_space<vmem_shared>>)
          tpu.yield
        }) : () -> ()
        %lt3A_122 = arith.constant 7 : i32
        %lt3A_123 = arith.cmpi slt, %scan3A_54, %lt3A_122 : i32
        %convert_element_type3A_124 = arith.extui %lt3A_123 : i1 to i32
        %cond3A_125 = arith.constant 0 : i32
        %cond3A_126 = arith.cmpi ne, %convert_element_type3A_124, %cond3A_125 : i32
        scf.if %cond3A_126 {
          %add3A_128 = arith.constant 5 : i32
          %add3A_129 = arith.addi %add3A_115, %add3A_128 : i32
          %dma_start3A_130 = arith.constant 0 : i32
          %dma_start3A_131 = tpu.memref_slice %arg9[%add3A_129, %dma_start3A_130] : memref<40x50xi32, #tpu.memory_space<vmem>> -> memref<1x50xi32, #tpu.memory_space<vmem>>
          %dma_start3A_132 = tpu.memref_squeeze %dma_start3A_131 : memref<1x50xi32, #tpu.memory_space<vmem>> -> memref<50xi32, #tpu.memory_space<vmem>>
          %dma_start3A_133 = arith.constant 0 : i32
          %dma_start3A_134 = arith.constant 0 : i32
          %dma_start3A_135 = tpu.memref_slice %arg2[%dma_start3A_133, %dma_start3A_134] : memref<10000x128xf32, #tpu.memory_space<hbm>> -> memref<10000x128xf32, #tpu.memory_space<hbm>>
          tpu.enqueue_indirect_dma source(%dma_start3A_135 : memref<10000x128xf32, #tpu.memory_space<hbm>>) target(%arg15 : memref<50x128xf32, #tpu.memory_space<vmem>>) offsets(%dma_start3A_132 : memref<50xi32, #tpu.memory_space<vmem>>) semaphore(%arg21 : memref<!tpu.dma_semaphore, #tpu.memory_space<semaphore_mem>>)
        } else {
        }
        %scan3A_127 = arith.constant 0 : i32
        scf.yield %scan3A_127 : i32
      }
      %scan3A_52 = arith.constant 8 : i32
      %scan3A_53 = arith.constant 0 : i32
      scf.yield %scan3A_53 : i32
    }
    %scan3A_8 = arith.constant 5 : i32
    %barrier3A_9 = arith.constant 0 : index
    tpu.barrier barrier_id(%barrier3A_9)
    "tpu.region"() ({
      %run_scoped3A = tpu.sem_alloc : memref<!tpu.dma_semaphore, #tpu.memory_space<semaphore_mem>>
      %dma_start3A = arith.constant 0 : i32
      %dma_start3A_10 = tpu.memref_slice %arg8[%arg0, %mul3A_2, %dma_start3A] : memref<2x10240x128xf32, #tpu.memory_space<hbm>> -> memref<1x640x128xf32, #tpu.memory_space<hbm>>
      %dma_start3A_11 = tpu.memref_squeeze %dma_start3A_10 : memref<1x640x128xf32, #tpu.memory_space<hbm>> -> memref<640x128xf32, #tpu.memory_space<hbm>>
      %dma_start3A_12 = arith.constant 0 : i32
      %dma_start3A_13 = tpu.memref_slice %arg16[%mul3A_2, %dma_start3A_12] : memref<10240x128xf32, #tpu.memory_space<vmem_shared>> -> memref<640x128xf32, #tpu.memory_space<vmem_shared>>
      tpu.enqueue_dma source(%dma_start3A_13 : memref<640x128xf32, #tpu.memory_space<vmem_shared>>) target(%dma_start3A_11 : memref<640x128xf32, #tpu.memory_space<hbm>>) target_semaphore(%run_scoped3A : memref<!tpu.dma_semaphore, #tpu.memory_space<semaphore_mem>>)
      %dma_wait3A = arith.constant 0 : i32
      %dma_wait3A_14 = tpu.memref_slice %arg8[%arg0, %mul3A_2, %dma_wait3A] : memref<2x10240x128xf32, #tpu.memory_space<hbm>> -> memref<1x640x128xf32, #tpu.memory_space<hbm>>
      %dma_wait3A_15 = tpu.memref_squeeze %dma_wait3A_14 : memref<1x640x128xf32, #tpu.memory_space<hbm>> -> memref<640x128xf32, #tpu.memory_space<hbm>>
      %dma_wait3A_16 = arith.constant 0 : i32
      %dma_wait3A_17 = tpu.memref_slice %arg16[%mul3A_2, %dma_wait3A_16] : memref<10240x128xf32, #tpu.memory_space<vmem_shared>> -> memref<640x128xf32, #tpu.memory_space<vmem_shared>>
      tpu.wait_dma2 semaphore(%run_scoped3A : memref<!tpu.dma_semaphore, #tpu.memory_space<semaphore_mem>>) src(%dma_wait3A_17 : memref<640x128xf32, #tpu.memory_space<vmem_shared>>) dst(%dma_wait3A_15 : memref<640x128xf32, #tpu.memory_space<hbm>>)
      tpu.yield
    }) : () -> ()
    return
  }
}

#map = affine_map<(d0, d1) -> (0, 0)>
#map1 = affine_map<(d0, d1) -> (0, 0, 0, 0)>
#map2 = affine_map<(d0, d1) -> (0, 0, 0)>
module attributes {stable_mosaic.version = 14 : i64} {
  func.func @body(%arg0: i32, %arg1: i32, %arg2: memref<10000x128xf32, #tpu.memory_space<hbm>>, %arg3: memref<32x5x40x50xi32, #tpu.memory_space<hbm>>, %arg4: memref<32x5x40x50xi32, #tpu.memory_space<hbm>>, %arg5: memref<640x128xf32, #tpu.memory_space<hbm>>, %arg6: memref<640x16xf32, #tpu.memory_space<hbm>>, %arg7: memref<50x16xf32, #tpu.memory_space<hbm>>, %arg8: memref<2x10240x128xf32, #tpu.memory_space<hbm>>, %arg9: memref<2x10240x16xf32, #tpu.memory_space<hbm>>, %arg10: memref<40x50xi32, #tpu.memory_space<vmem>>, %arg11: memref<40x50xi32, #tpu.memory_space<vmem>>, %arg12: memref<50x128xf32, #tpu.memory_space<vmem>>, %arg13: memref<50x128xf32, #tpu.memory_space<vmem>>, %arg14: memref<50x128xf32, #tpu.memory_space<vmem>>, %arg15: memref<50x128xf32, #tpu.memory_space<vmem>>, %arg16: memref<50x128xf32, #tpu.memory_space<vmem>>, %arg17: memref<10240x128xf32, #tpu.memory_space<vmem_shared>>, %arg18: memref<!tpu.dma_semaphore, #tpu.memory_space<semaphore_mem>>, %arg19: memref<!tpu.dma_semaphore, #tpu.memory_space<semaphore_mem>>, %arg20: memref<!tpu.dma_semaphore, #tpu.memory_space<semaphore_mem>>, %arg21: memref<!tpu.dma_semaphore, #tpu.memory_space<semaphore_mem>>, %arg22: memref<!tpu.dma_semaphore, #tpu.memory_space<semaphore_mem>>, %arg23: memref<50x16xf32, #tpu.memory_space<vmem>>, %arg24: memref<10240x16xf32, #tpu.memory_space<vmem_shared>>, %arg25: memref<!tpu.dma_semaphore, #tpu.memory_space<semaphore_mem>>) attributes {dimension_semantics = [#tpu.dimension_semantics<core_parallel>, #tpu.dimension_semantics<subcore_parallel>], iteration_bounds = array<i64: 2, 16>, scalar_prefetch = 0 : i64, scratch_operands = 16 : i64, tpu.core_type = #tpu.core_type<sc_vector_subcore>, window_params = [{transform_indices = #map}, {transform_indices = #map1}, {transform_indices = #map1}, {transform_indices = #map}, {transform_indices = #map}, {transform_indices = #map}, {transform_indices = #map2}, {transform_indices = #map2}]} {
    %mul3A = arith.constant 16 : i32
    %mul3A_0 = arith.muli %arg0, %mul3A : i32
    %add3A = arith.addi %mul3A_0, %arg1 : i32
    %mul3A_1 = arith.constant 640 : i32
    %mul3A_2 = arith.muli %arg1, %mul3A_1 : i32
    "tpu.region"() ({
      %run_scoped3A = tpu.sem_alloc : memref<!tpu.dma_semaphore, #tpu.memory_space<semaphore_mem>>
      %dma_start3A = arith.constant 0 : i32
      %dma_start3A_10 = tpu.memref_slice %arg17[%mul3A_2, %dma_start3A] : memref<10240x128xf32, #tpu.memory_space<vmem_shared>> -> memref<640x128xf32, #tpu.memory_space<vmem_shared>>
      tpu.enqueue_dma source(%arg5 : memref<640x128xf32, #tpu.memory_space<hbm>>) target(%dma_start3A_10 : memref<640x128xf32, #tpu.memory_space<vmem_shared>>) target_semaphore(%run_scoped3A : memref<!tpu.dma_semaphore, #tpu.memory_space<semaphore_mem>>)
      %dma_wait3A = arith.constant 0 : i32
      %dma_wait3A_11 = tpu.memref_slice %arg17[%mul3A_2, %dma_wait3A] : memref<10240x128xf32, #tpu.memory_space<vmem_shared>> -> memref<640x128xf32, #tpu.memory_space<vmem_shared>>
      tpu.wait_dma2 semaphore(%run_scoped3A : memref<!tpu.dma_semaphore, #tpu.memory_space<semaphore_mem>>) src(%arg5 : memref<640x128xf32, #tpu.memory_space<hbm>>) dst(%dma_wait3A_11 : memref<640x128xf32, #tpu.memory_space<vmem_shared>>)
      tpu.yield
    }) : () -> ()
    "tpu.region"() ({
      %run_scoped3A = tpu.sem_alloc : memref<!tpu.dma_semaphore, #tpu.memory_space<semaphore_mem>>
      %dma_start3A = arith.constant 0 : i32
      %dma_start3A_10 = tpu.memref_slice %arg24[%mul3A_2, %dma_start3A] : memref<10240x16xf32, #tpu.memory_space<vmem_shared>> -> memref<640x16xf32, #tpu.memory_space<vmem_shared>>
      tpu.enqueue_dma source(%arg6 : memref<640x16xf32, #tpu.memory_space<hbm>>) target(%dma_start3A_10 : memref<640x16xf32, #tpu.memory_space<vmem_shared>>) target_semaphore(%run_scoped3A : memref<!tpu.dma_semaphore, #tpu.memory_space<semaphore_mem>>)
      %dma_wait3A = arith.constant 0 : i32
      %dma_wait3A_11 = tpu.memref_slice %arg24[%mul3A_2, %dma_wait3A] : memref<10240x16xf32, #tpu.memory_space<vmem_shared>> -> memref<640x16xf32, #tpu.memory_space<vmem_shared>>
      tpu.wait_dma2 semaphore(%run_scoped3A : memref<!tpu.dma_semaphore, #tpu.memory_space<semaphore_mem>>) src(%arg6 : memref<640x16xf32, #tpu.memory_space<hbm>>) dst(%dma_wait3A_11 : memref<640x16xf32, #tpu.memory_space<vmem_shared>>)
      tpu.yield
    }) : () -> ()
    "tpu.region"() ({
      %run_scoped3A = tpu.sem_alloc : memref<!tpu.dma_semaphore, #tpu.memory_space<semaphore_mem>>
      tpu.enqueue_dma source(%arg7 : memref<50x16xf32, #tpu.memory_space<hbm>>) target(%arg23 : memref<50x16xf32, #tpu.memory_space<vmem>>) target_semaphore(%run_scoped3A : memref<!tpu.dma_semaphore, #tpu.memory_space<semaphore_mem>>)
      tpu.wait_dma2 semaphore(%run_scoped3A : memref<!tpu.dma_semaphore, #tpu.memory_space<semaphore_mem>>) src(%arg7 : memref<50x16xf32, #tpu.memory_space<hbm>>) dst(%arg23 : memref<50x16xf32, #tpu.memory_space<vmem>>)
      tpu.yield
    }) : () -> ()
    %barrier3A = arith.constant 0 : index
    tpu.barrier barrier_id(%barrier3A)
    %scan3A = arith.constant 0 : i32
    %scan3A_3 = arith.constant 0 : i32
    %scan3A_4 = arith.constant 5 : i32
    %scan3A_5 = arith.addi %scan3A_3, %scan3A_4 : i32
    %scan3A_6 = arith.constant 1 : i32
    %scan3A_7 = scf.for %scan3A_10 = %scan3A_3 to %scan3A_5 step %scan3A_6 iter_args(%scan3A_11 = %scan3A) -> (i32)  : i32 {
      "tpu.region"() ({
        %run_scoped3A = tpu.sem_alloc : memref<!tpu.dma_semaphore, #tpu.memory_space<semaphore_mem>>
        %dma_start3A_61 = arith.constant 0 : i32
        %dma_start3A_62 = arith.constant 0 : i32
        %dma_start3A_63 = tpu.memref_slice %arg3[%add3A, %scan3A_10, %dma_start3A_61, %dma_start3A_62] : memref<32x5x40x50xi32, #tpu.memory_space<hbm>> -> memref<1x1x40x50xi32, #tpu.memory_space<hbm>>
        %dma_start3A_64 = tpu.memref_squeeze %dma_start3A_63 : memref<1x1x40x50xi32, #tpu.memory_space<hbm>> -> memref<40x50xi32, #tpu.memory_space<hbm>>
        %dma_start3A_65 = arith.constant 0 : i32
        %dma_start3A_66 = arith.constant 0 : i32
        %dma_start3A_67 = tpu.memref_slice %arg3[%add3A, %scan3A_10, %dma_start3A_65, %dma_start3A_66] : memref<32x5x40x50xi32, #tpu.memory_space<hbm>> -> memref<1x1x40x50xi32, #tpu.memory_space<hbm>>
        %dma_start3A_68 = tpu.memref_squeeze %dma_start3A_67 : memref<1x1x40x50xi32, #tpu.memory_space<hbm>> -> memref<40x50xi32, #tpu.memory_space<hbm>>
        tpu.enqueue_dma source(%dma_start3A_68 : memref<40x50xi32, #tpu.memory_space<hbm>>) target(%arg10 : memref<40x50xi32, #tpu.memory_space<vmem>>) target_semaphore(%run_scoped3A : memref<!tpu.dma_semaphore, #tpu.memory_space<semaphore_mem>>)
        %dma_wait3A = arith.constant 0 : i32
        %dma_wait3A_69 = arith.constant 0 : i32
        %dma_wait3A_70 = tpu.memref_slice %arg3[%add3A, %scan3A_10, %dma_wait3A, %dma_wait3A_69] : memref<32x5x40x50xi32, #tpu.memory_space<hbm>> -> memref<1x1x40x50xi32, #tpu.memory_space<hbm>>
        %dma_wait3A_71 = tpu.memref_squeeze %dma_wait3A_70 : memref<1x1x40x50xi32, #tpu.memory_space<hbm>> -> memref<40x50xi32, #tpu.memory_space<hbm>>
        %dma_wait3A_72 = arith.constant 0 : i32
        %dma_wait3A_73 = arith.constant 0 : i32
        %dma_wait3A_74 = tpu.memref_slice %arg3[%add3A, %scan3A_10, %dma_wait3A_72, %dma_wait3A_73] : memref<32x5x40x50xi32, #tpu.memory_space<hbm>> -> memref<1x1x40x50xi32, #tpu.memory_space<hbm>>
        %dma_wait3A_75 = tpu.memref_squeeze %dma_wait3A_74 : memref<1x1x40x50xi32, #tpu.memory_space<hbm>> -> memref<40x50xi32, #tpu.memory_space<hbm>>
        tpu.wait_dma2 semaphore(%run_scoped3A : memref<!tpu.dma_semaphore, #tpu.memory_space<semaphore_mem>>) src(%dma_wait3A_75 : memref<40x50xi32, #tpu.memory_space<hbm>>) dst(%arg10 : memref<40x50xi32, #tpu.memory_space<vmem>>)
        tpu.yield
      }) : () -> ()
      "tpu.region"() ({
        %run_scoped3A = tpu.sem_alloc : memref<!tpu.dma_semaphore, #tpu.memory_space<semaphore_mem>>
        %dma_start3A_61 = arith.constant 0 : i32
        %dma_start3A_62 = arith.constant 0 : i32
        %dma_start3A_63 = tpu.memref_slice %arg4[%add3A, %scan3A_10, %dma_start3A_61, %dma_start3A_62] : memref<32x5x40x50xi32, #tpu.memory_space<hbm>> -> memref<1x1x40x50xi32, #tpu.memory_space<hbm>>
        %dma_start3A_64 = tpu.memref_squeeze %dma_start3A_63 : memref<1x1x40x50xi32, #tpu.memory_space<hbm>> -> memref<40x50xi32, #tpu.memory_space<hbm>>
        %dma_start3A_65 = arith.constant 0 : i32
        %dma_start3A_66 = arith.constant 0 : i32
        %dma_start3A_67 = tpu.memref_slice %arg4[%add3A, %scan3A_10, %dma_start3A_65, %dma_start3A_66] : memref<32x5x40x50xi32, #tpu.memory_space<hbm>> -> memref<1x1x40x50xi32, #tpu.memory_space<hbm>>
        %dma_start3A_68 = tpu.memref_squeeze %dma_start3A_67 : memref<1x1x40x50xi32, #tpu.memory_space<hbm>> -> memref<40x50xi32, #tpu.memory_space<hbm>>
        tpu.enqueue_dma source(%dma_start3A_68 : memref<40x50xi32, #tpu.memory_space<hbm>>) target(%arg11 : memref<40x50xi32, #tpu.memory_space<vmem>>) target_semaphore(%run_scoped3A : memref<!tpu.dma_semaphore, #tpu.memory_space<semaphore_mem>>)
        %dma_wait3A = arith.constant 0 : i32
        %dma_wait3A_69 = arith.constant 0 : i32
        %dma_wait3A_70 = tpu.memref_slice %arg4[%add3A, %scan3A_10, %dma_wait3A, %dma_wait3A_69] : memref<32x5x40x50xi32, #tpu.memory_space<hbm>> -> memref<1x1x40x50xi32, #tpu.memory_space<hbm>>
        %dma_wait3A_71 = tpu.memref_squeeze %dma_wait3A_70 : memref<1x1x40x50xi32, #tpu.memory_space<hbm>> -> memref<40x50xi32, #tpu.memory_space<hbm>>
        %dma_wait3A_72 = arith.constant 0 : i32
        %dma_wait3A_73 = arith.constant 0 : i32
        %dma_wait3A_74 = tpu.memref_slice %arg4[%add3A, %scan3A_10, %dma_wait3A_72, %dma_wait3A_73] : memref<32x5x40x50xi32, #tpu.memory_space<hbm>> -> memref<1x1x40x50xi32, #tpu.memory_space<hbm>>
        %dma_wait3A_75 = tpu.memref_squeeze %dma_wait3A_74 : memref<1x1x40x50xi32, #tpu.memory_space<hbm>> -> memref<40x50xi32, #tpu.memory_space<hbm>>
        tpu.wait_dma2 semaphore(%run_scoped3A : memref<!tpu.dma_semaphore, #tpu.memory_space<semaphore_mem>>) src(%dma_wait3A_75 : memref<40x50xi32, #tpu.memory_space<hbm>>) dst(%arg11 : memref<40x50xi32, #tpu.memory_space<vmem>>)
        tpu.yield
      }) : () -> ()
      %dma_start3A = arith.constant 0 : i32
      %dma_start3A_12 = arith.constant 0 : i32
      %dma_start3A_13 = tpu.memref_slice %arg10[%dma_start3A, %dma_start3A_12] : memref<40x50xi32, #tpu.memory_space<vmem>> -> memref<1x50xi32, #tpu.memory_space<vmem>>
      %dma_start3A_14 = tpu.memref_squeeze %dma_start3A_13 : memref<1x50xi32, #tpu.memory_space<vmem>> -> memref<50xi32, #tpu.memory_space<vmem>>
      %dma_start3A_15 = arith.constant 0 : i32
      %dma_start3A_16 = arith.constant 0 : i32
      %dma_start3A_17 = tpu.memref_slice %arg2[%dma_start3A_15, %dma_start3A_16] : memref<10000x128xf32, #tpu.memory_space<hbm>> -> memref<10000x128xf32, #tpu.memory_space<hbm>>
      tpu.enqueue_indirect_dma source(%dma_start3A_17 : memref<10000x128xf32, #tpu.memory_space<hbm>>) target(%arg12 : memref<50x128xf32, #tpu.memory_space<vmem>>) offsets(%dma_start3A_14 : memref<50xi32, #tpu.memory_space<vmem>>) semaphore(%arg18 : memref<!tpu.dma_semaphore, #tpu.memory_space<semaphore_mem>>)
      %dma_start3A_18 = arith.constant 1 : i32
      %dma_start3A_19 = arith.constant 0 : i32
      %dma_start3A_20 = tpu.memref_slice %arg10[%dma_start3A_18, %dma_start3A_19] : memref<40x50xi32, #tpu.memory_space<vmem>> -> memref<1x50xi32, #tpu.memory_space<vmem>>
      %dma_start3A_21 = tpu.memref_squeeze %dma_start3A_20 : memref<1x50xi32, #tpu.memory_space<vmem>> -> memref<50xi32, #tpu.memory_space<vmem>>
      %dma_start3A_22 = arith.constant 0 : i32
      %dma_start3A_23 = arith.constant 0 : i32
      %dma_start3A_24 = tpu.memref_slice %arg2[%dma_start3A_22, %dma_start3A_23] : memref<10000x128xf32, #tpu.memory_space<hbm>> -> memref<10000x128xf32, #tpu.memory_space<hbm>>
      tpu.enqueue_indirect_dma source(%dma_start3A_24 : memref<10000x128xf32, #tpu.memory_space<hbm>>) target(%arg13 : memref<50x128xf32, #tpu.memory_space<vmem>>) offsets(%dma_start3A_21 : memref<50xi32, #tpu.memory_space<vmem>>) semaphore(%arg19 : memref<!tpu.dma_semaphore, #tpu.memory_space<semaphore_mem>>)
      %dma_start3A_25 = arith.constant 2 : i32
      %dma_start3A_26 = arith.constant 0 : i32
      %dma_start3A_27 = tpu.memref_slice %arg10[%dma_start3A_25, %dma_start3A_26] : memref<40x50xi32, #tpu.memory_space<vmem>> -> memref<1x50xi32, #tpu.memory_space<vmem>>
      %dma_start3A_28 = tpu.memref_squeeze %dma_start3A_27 : memref<1x50xi32, #tpu.memory_space<vmem>> -> memref<50xi32, #tpu.memory_space<vmem>>
      %dma_start3A_29 = arith.constant 0 : i32
      %dma_start3A_30 = arith.constant 0 : i32
      %dma_start3A_31 = tpu.memref_slice %arg2[%dma_start3A_29, %dma_start3A_30] : memref<10000x128xf32, #tpu.memory_space<hbm>> -> memref<10000x128xf32, #tpu.memory_space<hbm>>
      tpu.enqueue_indirect_dma source(%dma_start3A_31 : memref<10000x128xf32, #tpu.memory_space<hbm>>) target(%arg14 : memref<50x128xf32, #tpu.memory_space<vmem>>) offsets(%dma_start3A_28 : memref<50xi32, #tpu.memory_space<vmem>>) semaphore(%arg20 : memref<!tpu.dma_semaphore, #tpu.memory_space<semaphore_mem>>)
      %dma_start3A_32 = arith.constant 3 : i32
      %dma_start3A_33 = arith.constant 0 : i32
      %dma_start3A_34 = tpu.memref_slice %arg10[%dma_start3A_32, %dma_start3A_33] : memref<40x50xi32, #tpu.memory_space<vmem>> -> memref<1x50xi32, #tpu.memory_space<vmem>>
      %dma_start3A_35 = tpu.memref_squeeze %dma_start3A_34 : memref<1x50xi32, #tpu.memory_space<vmem>> -> memref<50xi32, #tpu.memory_space<vmem>>
      %dma_start3A_36 = arith.constant 0 : i32
      %dma_start3A_37 = arith.constant 0 : i32
      %dma_start3A_38 = tpu.memref_slice %arg2[%dma_start3A_36, %dma_start3A_37] : memref<10000x128xf32, #tpu.memory_space<hbm>> -> memref<10000x128xf32, #tpu.memory_space<hbm>>
      tpu.enqueue_indirect_dma source(%dma_start3A_38 : memref<10000x128xf32, #tpu.memory_space<hbm>>) target(%arg15 : memref<50x128xf32, #tpu.memory_space<vmem>>) offsets(%dma_start3A_35 : memref<50xi32, #tpu.memory_space<vmem>>) semaphore(%arg21 : memref<!tpu.dma_semaphore, #tpu.memory_space<semaphore_mem>>)
      %dma_start3A_39 = arith.constant 4 : i32
      %dma_start3A_40 = arith.constant 0 : i32
      %dma_start3A_41 = tpu.memref_slice %arg10[%dma_start3A_39, %dma_start3A_40] : memref<40x50xi32, #tpu.memory_space<vmem>> -> memref<1x50xi32, #tpu.memory_space<vmem>>
      %dma_start3A_42 = tpu.memref_squeeze %dma_start3A_41 : memref<1x50xi32, #tpu.memory_space<vmem>> -> memref<50xi32, #tpu.memory_space<vmem>>
      %dma_start3A_43 = arith.constant 0 : i32
      %dma_start3A_44 = arith.constant 0 : i32
      %dma_start3A_45 = tpu.memref_slice %arg2[%dma_start3A_43, %dma_start3A_44] : memref<10000x128xf32, #tpu.memory_space<hbm>> -> memref<10000x128xf32, #tpu.memory_space<hbm>>
      tpu.enqueue_indirect_dma source(%dma_start3A_45 : memref<10000x128xf32, #tpu.memory_space<hbm>>) target(%arg16 : memref<50x128xf32, #tpu.memory_space<vmem>>) offsets(%dma_start3A_42 : memref<50xi32, #tpu.memory_space<vmem>>) semaphore(%arg22 : memref<!tpu.dma_semaphore, #tpu.memory_space<semaphore_mem>>)
      %scan3A_46 = arith.constant 0 : i32
      %scan3A_47 = arith.constant 0 : i32
      %scan3A_48 = arith.constant 8 : i32
      %scan3A_49 = arith.addi %scan3A_47, %scan3A_48 : i32
      %scan3A_50 = arith.constant 1 : i32
      %scan3A_51 = scf.for %scan3A_61 = %scan3A_47 to %scan3A_49 step %scan3A_50 iter_args(%scan3A_62 = %scan3A_46) -> (i32)  : i32 {
        %mul3A_63 = arith.constant 5 : i32
        %mul3A_64 = arith.muli %mul3A_63, %scan3A_61 : i32
        %add3A_65 = arith.constant 0 : i32
        %add3A_66 = arith.addi %mul3A_64, %add3A_65 : i32
        %dma_wait3A = arith.constant 0 : i32
        %dma_wait3A_67 = tpu.memref_slice %arg10[%add3A_66, %dma_wait3A] : memref<40x50xi32, #tpu.memory_space<vmem>> -> memref<1x50xi32, #tpu.memory_space<vmem>>
        %dma_wait3A_68 = tpu.memref_squeeze %dma_wait3A_67 : memref<1x50xi32, #tpu.memory_space<vmem>> -> memref<50xi32, #tpu.memory_space<vmem>>
        %dma_wait3A_69 = arith.constant 0 : i32
        %dma_wait3A_70 = arith.constant 0 : i32
        %dma_wait3A_71 = tpu.memref_slice %arg2[%dma_wait3A_69, %dma_wait3A_70] : memref<10000x128xf32, #tpu.memory_space<hbm>> -> memref<10000x128xf32, #tpu.memory_space<hbm>>
        tpu.wait_indirect_dma semaphore(%arg18 : memref<!tpu.dma_semaphore, #tpu.memory_space<semaphore_mem>>) src(%dma_wait3A_71 : memref<10000x128xf32, #tpu.memory_space<hbm>>) dst(%arg12 : memref<50x128xf32, #tpu.memory_space<vmem>>)
        "tpu.region"() ({
          %run_scoped3A = tpu.sem_alloc : memref<!tpu.dma_semaphore, #tpu.memory_space<semaphore_mem>>
          %dma_start3A_165 = arith.constant 0 : i32
          %dma_start3A_166 = tpu.memref_slice %arg11[%add3A_66, %dma_start3A_165] : memref<40x50xi32, #tpu.memory_space<vmem>> -> memref<1x50xi32, #tpu.memory_space<vmem>>
          %dma_start3A_167 = tpu.memref_squeeze %dma_start3A_166 : memref<1x50xi32, #tpu.memory_space<vmem>> -> memref<50xi32, #tpu.memory_space<vmem>>
          %dma_start3A_168 = arith.constant 0 : i32
          %dma_start3A_169 = arith.constant 0 : i32
          %dma_start3A_170 = tpu.memref_slice %arg17[%dma_start3A_168, %dma_start3A_169] : memref<10240x128xf32, #tpu.memory_space<vmem_shared>> -> memref<10240x128xf32, #tpu.memory_space<vmem_shared>>
          tpu.enqueue_indirect_dma source(%arg12 : memref<50x128xf32, #tpu.memory_space<vmem>>) target(%dma_start3A_170 : memref<10240x128xf32, #tpu.memory_space<vmem_shared>>) offsets(%dma_start3A_167 : memref<50xi32, #tpu.memory_space<vmem>>) semaphore(%run_scoped3A : memref<!tpu.dma_semaphore, #tpu.memory_space<semaphore_mem>>) {add = true}
          %dma_wait3A_171 = arith.constant 0 : i32
          %dma_wait3A_172 = tpu.memref_slice %arg11[%add3A_66, %dma_wait3A_171] : memref<40x50xi32, #tpu.memory_space<vmem>> -> memref<1x50xi32, #tpu.memory_space<vmem>>
          %dma_wait3A_173 = tpu.memref_squeeze %dma_wait3A_172 : memref<1x50xi32, #tpu.memory_space<vmem>> -> memref<50xi32, #tpu.memory_space<vmem>>
          %dma_wait3A_174 = arith.constant 0 : i32
          %dma_wait3A_175 = arith.constant 0 : i32
          %dma_wait3A_176 = tpu.memref_slice %arg17[%dma_wait3A_174, %dma_wait3A_175] : memref<10240x128xf32, #tpu.memory_space<vmem_shared>> -> memref<10240x128xf32, #tpu.memory_space<vmem_shared>>
          tpu.wait_indirect_dma semaphore(%run_scoped3A : memref<!tpu.dma_semaphore, #tpu.memory_space<semaphore_mem>>) src(%arg12 : memref<50x128xf32, #tpu.memory_space<vmem>>) dst(%dma_wait3A_176 : memref<10240x128xf32, #tpu.memory_space<vmem_shared>>)
          tpu.yield
        }) : () -> ()
        %dma_start3A_72 = arith.constant 0 : i32
        %dma_start3A_73 = tpu.memref_slice %arg11[%add3A_66, %dma_start3A_72] : memref<40x50xi32, #tpu.memory_space<vmem>> -> memref<1x50xi32, #tpu.memory_space<vmem>>
        %dma_start3A_74 = tpu.memref_squeeze %dma_start3A_73 : memref<1x50xi32, #tpu.memory_space<vmem>> -> memref<50xi32, #tpu.memory_space<vmem>>
        %dma_start3A_75 = arith.constant 0 : i32
        %dma_start3A_76 = arith.constant 0 : i32
        %dma_start3A_77 = tpu.memref_slice %arg24[%dma_start3A_75, %dma_start3A_76] : memref<10240x16xf32, #tpu.memory_space<vmem_shared>> -> memref<10240x16xf32, #tpu.memory_space<vmem_shared>>
        tpu.enqueue_indirect_dma source(%arg23 : memref<50x16xf32, #tpu.memory_space<vmem>>) target(%dma_start3A_77 : memref<10240x16xf32, #tpu.memory_space<vmem_shared>>) offsets(%dma_start3A_74 : memref<50xi32, #tpu.memory_space<vmem>>) semaphore(%arg25 : memref<!tpu.dma_semaphore, #tpu.memory_space<semaphore_mem>>) {add = true}
        %lt3A = arith.constant 7 : i32
        %lt3A_78 = arith.cmpi slt, %scan3A_61, %lt3A : i32
        %convert_element_type3A = arith.extui %lt3A_78 : i1 to i32
        %cond3A = arith.constant 0 : i32
        %cond3A_79 = arith.cmpi ne, %convert_element_type3A, %cond3A : i32
        scf.if %cond3A_79 {
          %add3A_165 = arith.constant 5 : i32
          %add3A_166 = arith.addi %add3A_66, %add3A_165 : i32
          %dma_start3A_167 = arith.constant 0 : i32
          %dma_start3A_168 = tpu.memref_slice %arg10[%add3A_166, %dma_start3A_167] : memref<40x50xi32, #tpu.memory_space<vmem>> -> memref<1x50xi32, #tpu.memory_space<vmem>>
          %dma_start3A_169 = tpu.memref_squeeze %dma_start3A_168 : memref<1x50xi32, #tpu.memory_space<vmem>> -> memref<50xi32, #tpu.memory_space<vmem>>
          %dma_start3A_170 = arith.constant 0 : i32
          %dma_start3A_171 = arith.constant 0 : i32
          %dma_start3A_172 = tpu.memref_slice %arg2[%dma_start3A_170, %dma_start3A_171] : memref<10000x128xf32, #tpu.memory_space<hbm>> -> memref<10000x128xf32, #tpu.memory_space<hbm>>
          tpu.enqueue_indirect_dma source(%dma_start3A_172 : memref<10000x128xf32, #tpu.memory_space<hbm>>) target(%arg12 : memref<50x128xf32, #tpu.memory_space<vmem>>) offsets(%dma_start3A_169 : memref<50xi32, #tpu.memory_space<vmem>>) semaphore(%arg18 : memref<!tpu.dma_semaphore, #tpu.memory_space<semaphore_mem>>)
        } else {
        }
        %mul3A_80 = arith.constant 5 : i32
        %mul3A_81 = arith.muli %mul3A_80, %scan3A_61 : i32
        %add3A_82 = arith.constant 1 : i32
        %add3A_83 = arith.addi %mul3A_81, %add3A_82 : i32
        %dma_wait3A_84 = arith.constant 0 : i32
        %dma_wait3A_85 = tpu.memref_slice %arg10[%add3A_83, %dma_wait3A_84] : memref<40x50xi32, #tpu.memory_space<vmem>> -> memref<1x50xi32, #tpu.memory_space<vmem>>
        %dma_wait3A_86 = tpu.memref_squeeze %dma_wait3A_85 : memref<1x50xi32, #tpu.memory_space<vmem>> -> memref<50xi32, #tpu.memory_space<vmem>>
        %dma_wait3A_87 = arith.constant 0 : i32
        %dma_wait3A_88 = arith.constant 0 : i32
        %dma_wait3A_89 = tpu.memref_slice %arg2[%dma_wait3A_87, %dma_wait3A_88] : memref<10000x128xf32, #tpu.memory_space<hbm>> -> memref<10000x128xf32, #tpu.memory_space<hbm>>
        tpu.wait_indirect_dma semaphore(%arg19 : memref<!tpu.dma_semaphore, #tpu.memory_space<semaphore_mem>>) src(%dma_wait3A_89 : memref<10000x128xf32, #tpu.memory_space<hbm>>) dst(%arg13 : memref<50x128xf32, #tpu.memory_space<vmem>>)
        "tpu.region"() ({
          %run_scoped3A = tpu.sem_alloc : memref<!tpu.dma_semaphore, #tpu.memory_space<semaphore_mem>>
          %dma_start3A_165 = arith.constant 0 : i32
          %dma_start3A_166 = tpu.memref_slice %arg11[%add3A_83, %dma_start3A_165] : memref<40x50xi32, #tpu.memory_space<vmem>> -> memref<1x50xi32, #tpu.memory_space<vmem>>
          %dma_start3A_167 = tpu.memref_squeeze %dma_start3A_166 : memref<1x50xi32, #tpu.memory_space<vmem>> -> memref<50xi32, #tpu.memory_space<vmem>>
          %dma_start3A_168 = arith.constant 0 : i32
          %dma_start3A_169 = arith.constant 0 : i32
          %dma_start3A_170 = tpu.memref_slice %arg17[%dma_start3A_168, %dma_start3A_169] : memref<10240x128xf32, #tpu.memory_space<vmem_shared>> -> memref<10240x128xf32, #tpu.memory_space<vmem_shared>>
          tpu.enqueue_indirect_dma source(%arg13 : memref<50x128xf32, #tpu.memory_space<vmem>>) target(%dma_start3A_170 : memref<10240x128xf32, #tpu.memory_space<vmem_shared>>) offsets(%dma_start3A_167 : memref<50xi32, #tpu.memory_space<vmem>>) semaphore(%run_scoped3A : memref<!tpu.dma_semaphore, #tpu.memory_space<semaphore_mem>>) {add = true}
          %dma_wait3A_171 = arith.constant 0 : i32
          %dma_wait3A_172 = tpu.memref_slice %arg11[%add3A_83, %dma_wait3A_171] : memref<40x50xi32, #tpu.memory_space<vmem>> -> memref<1x50xi32, #tpu.memory_space<vmem>>
          %dma_wait3A_173 = tpu.memref_squeeze %dma_wait3A_172 : memref<1x50xi32, #tpu.memory_space<vmem>> -> memref<50xi32, #tpu.memory_space<vmem>>
          %dma_wait3A_174 = arith.constant 0 : i32
          %dma_wait3A_175 = arith.constant 0 : i32
          %dma_wait3A_176 = tpu.memref_slice %arg17[%dma_wait3A_174, %dma_wait3A_175] : memref<10240x128xf32, #tpu.memory_space<vmem_shared>> -> memref<10240x128xf32, #tpu.memory_space<vmem_shared>>
          tpu.wait_indirect_dma semaphore(%run_scoped3A : memref<!tpu.dma_semaphore, #tpu.memory_space<semaphore_mem>>) src(%arg13 : memref<50x128xf32, #tpu.memory_space<vmem>>) dst(%dma_wait3A_176 : memref<10240x128xf32, #tpu.memory_space<vmem_shared>>)
          tpu.yield
        }) : () -> ()
        %dma_start3A_90 = arith.constant 0 : i32
        %dma_start3A_91 = tpu.memref_slice %arg11[%add3A_83, %dma_start3A_90] : memref<40x50xi32, #tpu.memory_space<vmem>> -> memref<1x50xi32, #tpu.memory_space<vmem>>
        %dma_start3A_92 = tpu.memref_squeeze %dma_start3A_91 : memref<1x50xi32, #tpu.memory_space<vmem>> -> memref<50xi32, #tpu.memory_space<vmem>>
        %dma_start3A_93 = arith.constant 0 : i32
        %dma_start3A_94 = arith.constant 0 : i32
        %dma_start3A_95 = tpu.memref_slice %arg24[%dma_start3A_93, %dma_start3A_94] : memref<10240x16xf32, #tpu.memory_space<vmem_shared>> -> memref<10240x16xf32, #tpu.memory_space<vmem_shared>>
        tpu.enqueue_indirect_dma source(%arg23 : memref<50x16xf32, #tpu.memory_space<vmem>>) target(%dma_start3A_95 : memref<10240x16xf32, #tpu.memory_space<vmem_shared>>) offsets(%dma_start3A_92 : memref<50xi32, #tpu.memory_space<vmem>>) semaphore(%arg25 : memref<!tpu.dma_semaphore, #tpu.memory_space<semaphore_mem>>) {add = true}
        %lt3A_96 = arith.constant 7 : i32
        %lt3A_97 = arith.cmpi slt, %scan3A_61, %lt3A_96 : i32
        %convert_element_type3A_98 = arith.extui %lt3A_97 : i1 to i32
        %cond3A_99 = arith.constant 0 : i32
        %cond3A_100 = arith.cmpi ne, %convert_element_type3A_98, %cond3A_99 : i32
        scf.if %cond3A_100 {
          %add3A_165 = arith.constant 5 : i32
          %add3A_166 = arith.addi %add3A_83, %add3A_165 : i32
          %dma_start3A_167 = arith.constant 0 : i32
          %dma_start3A_168 = tpu.memref_slice %arg10[%add3A_166, %dma_start3A_167] : memref<40x50xi32, #tpu.memory_space<vmem>> -> memref<1x50xi32, #tpu.memory_space<vmem>>
          %dma_start3A_169 = tpu.memref_squeeze %dma_start3A_168 : memref<1x50xi32, #tpu.memory_space<vmem>> -> memref<50xi32, #tpu.memory_space<vmem>>
          %dma_start3A_170 = arith.constant 0 : i32
          %dma_start3A_171 = arith.constant 0 : i32
          %dma_start3A_172 = tpu.memref_slice %arg2[%dma_start3A_170, %dma_start3A_171] : memref<10000x128xf32, #tpu.memory_space<hbm>> -> memref<10000x128xf32, #tpu.memory_space<hbm>>
          tpu.enqueue_indirect_dma source(%dma_start3A_172 : memref<10000x128xf32, #tpu.memory_space<hbm>>) target(%arg13 : memref<50x128xf32, #tpu.memory_space<vmem>>) offsets(%dma_start3A_169 : memref<50xi32, #tpu.memory_space<vmem>>) semaphore(%arg19 : memref<!tpu.dma_semaphore, #tpu.memory_space<semaphore_mem>>)
        } else {
        }
        %mul3A_101 = arith.constant 5 : i32
        %mul3A_102 = arith.muli %mul3A_101, %scan3A_61 : i32
        %add3A_103 = arith.constant 2 : i32
        %add3A_104 = arith.addi %mul3A_102, %add3A_103 : i32
        %dma_wait3A_105 = arith.constant 0 : i32
        %dma_wait3A_106 = tpu.memref_slice %arg10[%add3A_104, %dma_wait3A_105] : memref<40x50xi32, #tpu.memory_space<vmem>> -> memref<1x50xi32, #tpu.memory_space<vmem>>
        %dma_wait3A_107 = tpu.memref_squeeze %dma_wait3A_106 : memref<1x50xi32, #tpu.memory_space<vmem>> -> memref<50xi32, #tpu.memory_space<vmem>>
        %dma_wait3A_108 = arith.constant 0 : i32
        %dma_wait3A_109 = arith.constant 0 : i32
        %dma_wait3A_110 = tpu.memref_slice %arg2[%dma_wait3A_108, %dma_wait3A_109] : memref<10000x128xf32, #tpu.memory_space<hbm>> -> memref<10000x128xf32, #tpu.memory_space<hbm>>
        tpu.wait_indirect_dma semaphore(%arg20 : memref<!tpu.dma_semaphore, #tpu.memory_space<semaphore_mem>>) src(%dma_wait3A_110 : memref<10000x128xf32, #tpu.memory_space<hbm>>) dst(%arg14 : memref<50x128xf32, #tpu.memory_space<vmem>>)
        "tpu.region"() ({
          %run_scoped3A = tpu.sem_alloc : memref<!tpu.dma_semaphore, #tpu.memory_space<semaphore_mem>>
          %dma_start3A_165 = arith.constant 0 : i32
          %dma_start3A_166 = tpu.memref_slice %arg11[%add3A_104, %dma_start3A_165] : memref<40x50xi32, #tpu.memory_space<vmem>> -> memref<1x50xi32, #tpu.memory_space<vmem>>
          %dma_start3A_167 = tpu.memref_squeeze %dma_start3A_166 : memref<1x50xi32, #tpu.memory_space<vmem>> -> memref<50xi32, #tpu.memory_space<vmem>>
          %dma_start3A_168 = arith.constant 0 : i32
          %dma_start3A_169 = arith.constant 0 : i32
          %dma_start3A_170 = tpu.memref_slice %arg17[%dma_start3A_168, %dma_start3A_169] : memref<10240x128xf32, #tpu.memory_space<vmem_shared>> -> memref<10240x128xf32, #tpu.memory_space<vmem_shared>>
          tpu.enqueue_indirect_dma source(%arg14 : memref<50x128xf32, #tpu.memory_space<vmem>>) target(%dma_start3A_170 : memref<10240x128xf32, #tpu.memory_space<vmem_shared>>) offsets(%dma_start3A_167 : memref<50xi32, #tpu.memory_space<vmem>>) semaphore(%run_scoped3A : memref<!tpu.dma_semaphore, #tpu.memory_space<semaphore_mem>>) {add = true}
          %dma_wait3A_171 = arith.constant 0 : i32
          %dma_wait3A_172 = tpu.memref_slice %arg11[%add3A_104, %dma_wait3A_171] : memref<40x50xi32, #tpu.memory_space<vmem>> -> memref<1x50xi32, #tpu.memory_space<vmem>>
          %dma_wait3A_173 = tpu.memref_squeeze %dma_wait3A_172 : memref<1x50xi32, #tpu.memory_space<vmem>> -> memref<50xi32, #tpu.memory_space<vmem>>
          %dma_wait3A_174 = arith.constant 0 : i32
          %dma_wait3A_175 = arith.constant 0 : i32
          %dma_wait3A_176 = tpu.memref_slice %arg17[%dma_wait3A_174, %dma_wait3A_175] : memref<10240x128xf32, #tpu.memory_space<vmem_shared>> -> memref<10240x128xf32, #tpu.memory_space<vmem_shared>>
          tpu.wait_indirect_dma semaphore(%run_scoped3A : memref<!tpu.dma_semaphore, #tpu.memory_space<semaphore_mem>>) src(%arg14 : memref<50x128xf32, #tpu.memory_space<vmem>>) dst(%dma_wait3A_176 : memref<10240x128xf32, #tpu.memory_space<vmem_shared>>)
          tpu.yield
        }) : () -> ()
        %dma_start3A_111 = arith.constant 0 : i32
        %dma_start3A_112 = tpu.memref_slice %arg11[%add3A_104, %dma_start3A_111] : memref<40x50xi32, #tpu.memory_space<vmem>> -> memref<1x50xi32, #tpu.memory_space<vmem>>
        %dma_start3A_113 = tpu.memref_squeeze %dma_start3A_112 : memref<1x50xi32, #tpu.memory_space<vmem>> -> memref<50xi32, #tpu.memory_space<vmem>>
        %dma_start3A_114 = arith.constant 0 : i32
        %dma_start3A_115 = arith.constant 0 : i32
        %dma_start3A_116 = tpu.memref_slice %arg24[%dma_start3A_114, %dma_start3A_115] : memref<10240x16xf32, #tpu.memory_space<vmem_shared>> -> memref<10240x16xf32, #tpu.memory_space<vmem_shared>>
        tpu.enqueue_indirect_dma source(%arg23 : memref<50x16xf32, #tpu.memory_space<vmem>>) target(%dma_start3A_116 : memref<10240x16xf32, #tpu.memory_space<vmem_shared>>) offsets(%dma_start3A_113 : memref<50xi32, #tpu.memory_space<vmem>>) semaphore(%arg25 : memref<!tpu.dma_semaphore, #tpu.memory_space<semaphore_mem>>) {add = true}
        %lt3A_117 = arith.constant 7 : i32
        %lt3A_118 = arith.cmpi slt, %scan3A_61, %lt3A_117 : i32
        %convert_element_type3A_119 = arith.extui %lt3A_118 : i1 to i32
        %cond3A_120 = arith.constant 0 : i32
        %cond3A_121 = arith.cmpi ne, %convert_element_type3A_119, %cond3A_120 : i32
        scf.if %cond3A_121 {
          %add3A_165 = arith.constant 5 : i32
          %add3A_166 = arith.addi %add3A_104, %add3A_165 : i32
          %dma_start3A_167 = arith.constant 0 : i32
          %dma_start3A_168 = tpu.memref_slice %arg10[%add3A_166, %dma_start3A_167] : memref<40x50xi32, #tpu.memory_space<vmem>> -> memref<1x50xi32, #tpu.memory_space<vmem>>
          %dma_start3A_169 = tpu.memref_squeeze %dma_start3A_168 : memref<1x50xi32, #tpu.memory_space<vmem>> -> memref<50xi32, #tpu.memory_space<vmem>>
          %dma_start3A_170 = arith.constant 0 : i32
          %dma_start3A_171 = arith.constant 0 : i32
          %dma_start3A_172 = tpu.memref_slice %arg2[%dma_start3A_170, %dma_start3A_171] : memref<10000x128xf32, #tpu.memory_space<hbm>> -> memref<10000x128xf32, #tpu.memory_space<hbm>>
          tpu.enqueue_indirect_dma source(%dma_start3A_172 : memref<10000x128xf32, #tpu.memory_space<hbm>>) target(%arg14 : memref<50x128xf32, #tpu.memory_space<vmem>>) offsets(%dma_start3A_169 : memref<50xi32, #tpu.memory_space<vmem>>) semaphore(%arg20 : memref<!tpu.dma_semaphore, #tpu.memory_space<semaphore_mem>>)
        } else {
        }
        %mul3A_122 = arith.constant 5 : i32
        %mul3A_123 = arith.muli %mul3A_122, %scan3A_61 : i32
        %add3A_124 = arith.constant 3 : i32
        %add3A_125 = arith.addi %mul3A_123, %add3A_124 : i32
        %dma_wait3A_126 = arith.constant 0 : i32
        %dma_wait3A_127 = tpu.memref_slice %arg10[%add3A_125, %dma_wait3A_126] : memref<40x50xi32, #tpu.memory_space<vmem>> -> memref<1x50xi32, #tpu.memory_space<vmem>>
        %dma_wait3A_128 = tpu.memref_squeeze %dma_wait3A_127 : memref<1x50xi32, #tpu.memory_space<vmem>> -> memref<50xi32, #tpu.memory_space<vmem>>
        %dma_wait3A_129 = arith.constant 0 : i32
        %dma_wait3A_130 = arith.constant 0 : i32
        %dma_wait3A_131 = tpu.memref_slice %arg2[%dma_wait3A_129, %dma_wait3A_130] : memref<10000x128xf32, #tpu.memory_space<hbm>> -> memref<10000x128xf32, #tpu.memory_space<hbm>>
        tpu.wait_indirect_dma semaphore(%arg21 : memref<!tpu.dma_semaphore, #tpu.memory_space<semaphore_mem>>) src(%dma_wait3A_131 : memref<10000x128xf32, #tpu.memory_space<hbm>>) dst(%arg15 : memref<50x128xf32, #tpu.memory_space<vmem>>)
        "tpu.region"() ({
          %run_scoped3A = tpu.sem_alloc : memref<!tpu.dma_semaphore, #tpu.memory_space<semaphore_mem>>
          %dma_start3A_165 = arith.constant 0 : i32
          %dma_start3A_166 = tpu.memref_slice %arg11[%add3A_125, %dma_start3A_165] : memref<40x50xi32, #tpu.memory_space<vmem>> -> memref<1x50xi32, #tpu.memory_space<vmem>>
          %dma_start3A_167 = tpu.memref_squeeze %dma_start3A_166 : memref<1x50xi32, #tpu.memory_space<vmem>> -> memref<50xi32, #tpu.memory_space<vmem>>
          %dma_start3A_168 = arith.constant 0 : i32
          %dma_start3A_169 = arith.constant 0 : i32
          %dma_start3A_170 = tpu.memref_slice %arg17[%dma_start3A_168, %dma_start3A_169] : memref<10240x128xf32, #tpu.memory_space<vmem_shared>> -> memref<10240x128xf32, #tpu.memory_space<vmem_shared>>
          tpu.enqueue_indirect_dma source(%arg15 : memref<50x128xf32, #tpu.memory_space<vmem>>) target(%dma_start3A_170 : memref<10240x128xf32, #tpu.memory_space<vmem_shared>>) offsets(%dma_start3A_167 : memref<50xi32, #tpu.memory_space<vmem>>) semaphore(%run_scoped3A : memref<!tpu.dma_semaphore, #tpu.memory_space<semaphore_mem>>) {add = true}
          %dma_wait3A_171 = arith.constant 0 : i32
          %dma_wait3A_172 = tpu.memref_slice %arg11[%add3A_125, %dma_wait3A_171] : memref<40x50xi32, #tpu.memory_space<vmem>> -> memref<1x50xi32, #tpu.memory_space<vmem>>
          %dma_wait3A_173 = tpu.memref_squeeze %dma_wait3A_172 : memref<1x50xi32, #tpu.memory_space<vmem>> -> memref<50xi32, #tpu.memory_space<vmem>>
          %dma_wait3A_174 = arith.constant 0 : i32
          %dma_wait3A_175 = arith.constant 0 : i32
          %dma_wait3A_176 = tpu.memref_slice %arg17[%dma_wait3A_174, %dma_wait3A_175] : memref<10240x128xf32, #tpu.memory_space<vmem_shared>> -> memref<10240x128xf32, #tpu.memory_space<vmem_shared>>
          tpu.wait_indirect_dma semaphore(%run_scoped3A : memref<!tpu.dma_semaphore, #tpu.memory_space<semaphore_mem>>) src(%arg15 : memref<50x128xf32, #tpu.memory_space<vmem>>) dst(%dma_wait3A_176 : memref<10240x128xf32, #tpu.memory_space<vmem_shared>>)
          tpu.yield
        }) : () -> ()
        %dma_start3A_132 = arith.constant 0 : i32
        %dma_start3A_133 = tpu.memref_slice %arg11[%add3A_125, %dma_start3A_132] : memref<40x50xi32, #tpu.memory_space<vmem>> -> memref<1x50xi32, #tpu.memory_space<vmem>>
        %dma_start3A_134 = tpu.memref_squeeze %dma_start3A_133 : memref<1x50xi32, #tpu.memory_space<vmem>> -> memref<50xi32, #tpu.memory_space<vmem>>
        %dma_start3A_135 = arith.constant 0 : i32
        %dma_start3A_136 = arith.constant 0 : i32
        %dma_start3A_137 = tpu.memref_slice %arg24[%dma_start3A_135, %dma_start3A_136] : memref<10240x16xf32, #tpu.memory_space<vmem_shared>> -> memref<10240x16xf32, #tpu.memory_space<vmem_shared>>
        tpu.enqueue_indirect_dma source(%arg23 : memref<50x16xf32, #tpu.memory_space<vmem>>) target(%dma_start3A_137 : memref<10240x16xf32, #tpu.memory_space<vmem_shared>>) offsets(%dma_start3A_134 : memref<50xi32, #tpu.memory_space<vmem>>) semaphore(%arg25 : memref<!tpu.dma_semaphore, #tpu.memory_space<semaphore_mem>>) {add = true}
        %lt3A_138 = arith.constant 7 : i32
        %lt3A_139 = arith.cmpi slt, %scan3A_61, %lt3A_138 : i32
        %convert_element_type3A_140 = arith.extui %lt3A_139 : i1 to i32
        %cond3A_141 = arith.constant 0 : i32
        %cond3A_142 = arith.cmpi ne, %convert_element_type3A_140, %cond3A_141 : i32
        scf.if %cond3A_142 {
          %add3A_165 = arith.constant 5 : i32
          %add3A_166 = arith.addi %add3A_125, %add3A_165 : i32
          %dma_start3A_167 = arith.constant 0 : i32
          %dma_start3A_168 = tpu.memref_slice %arg10[%add3A_166, %dma_start3A_167] : memref<40x50xi32, #tpu.memory_space<vmem>> -> memref<1x50xi32, #tpu.memory_space<vmem>>
          %dma_start3A_169 = tpu.memref_squeeze %dma_start3A_168 : memref<1x50xi32, #tpu.memory_space<vmem>> -> memref<50xi32, #tpu.memory_space<vmem>>
          %dma_start3A_170 = arith.constant 0 : i32
          %dma_start3A_171 = arith.constant 0 : i32
          %dma_start3A_172 = tpu.memref_slice %arg2[%dma_start3A_170, %dma_start3A_171] : memref<10000x128xf32, #tpu.memory_space<hbm>> -> memref<10000x128xf32, #tpu.memory_space<hbm>>
          tpu.enqueue_indirect_dma source(%dma_start3A_172 : memref<10000x128xf32, #tpu.memory_space<hbm>>) target(%arg15 : memref<50x128xf32, #tpu.memory_space<vmem>>) offsets(%dma_start3A_169 : memref<50xi32, #tpu.memory_space<vmem>>) semaphore(%arg21 : memref<!tpu.dma_semaphore, #tpu.memory_space<semaphore_mem>>)
        } else {
        }
        %mul3A_143 = arith.constant 5 : i32
        %mul3A_144 = arith.muli %mul3A_143, %scan3A_61 : i32
        %add3A_145 = arith.constant 4 : i32
        %add3A_146 = arith.addi %mul3A_144, %add3A_145 : i32
        %dma_wait3A_147 = arith.constant 0 : i32
        %dma_wait3A_148 = tpu.memref_slice %arg10[%add3A_146, %dma_wait3A_147] : memref<40x50xi32, #tpu.memory_space<vmem>> -> memref<1x50xi32, #tpu.memory_space<vmem>>
        %dma_wait3A_149 = tpu.memref_squeeze %dma_wait3A_148 : memref<1x50xi32, #tpu.memory_space<vmem>> -> memref<50xi32, #tpu.memory_space<vmem>>
        %dma_wait3A_150 = arith.constant 0 : i32
        %dma_wait3A_151 = arith.constant 0 : i32
        %dma_wait3A_152 = tpu.memref_slice %arg2[%dma_wait3A_150, %dma_wait3A_151] : memref<10000x128xf32, #tpu.memory_space<hbm>> -> memref<10000x128xf32, #tpu.memory_space<hbm>>
        tpu.wait_indirect_dma semaphore(%arg22 : memref<!tpu.dma_semaphore, #tpu.memory_space<semaphore_mem>>) src(%dma_wait3A_152 : memref<10000x128xf32, #tpu.memory_space<hbm>>) dst(%arg16 : memref<50x128xf32, #tpu.memory_space<vmem>>)
        "tpu.region"() ({
          %run_scoped3A = tpu.sem_alloc : memref<!tpu.dma_semaphore, #tpu.memory_space<semaphore_mem>>
          %dma_start3A_165 = arith.constant 0 : i32
          %dma_start3A_166 = tpu.memref_slice %arg11[%add3A_146, %dma_start3A_165] : memref<40x50xi32, #tpu.memory_space<vmem>> -> memref<1x50xi32, #tpu.memory_space<vmem>>
          %dma_start3A_167 = tpu.memref_squeeze %dma_start3A_166 : memref<1x50xi32, #tpu.memory_space<vmem>> -> memref<50xi32, #tpu.memory_space<vmem>>
          %dma_start3A_168 = arith.constant 0 : i32
          %dma_start3A_169 = arith.constant 0 : i32
          %dma_start3A_170 = tpu.memref_slice %arg17[%dma_start3A_168, %dma_start3A_169] : memref<10240x128xf32, #tpu.memory_space<vmem_shared>> -> memref<10240x128xf32, #tpu.memory_space<vmem_shared>>
          tpu.enqueue_indirect_dma source(%arg16 : memref<50x128xf32, #tpu.memory_space<vmem>>) target(%dma_start3A_170 : memref<10240x128xf32, #tpu.memory_space<vmem_shared>>) offsets(%dma_start3A_167 : memref<50xi32, #tpu.memory_space<vmem>>) semaphore(%run_scoped3A : memref<!tpu.dma_semaphore, #tpu.memory_space<semaphore_mem>>) {add = true}
          %dma_wait3A_171 = arith.constant 0 : i32
          %dma_wait3A_172 = tpu.memref_slice %arg11[%add3A_146, %dma_wait3A_171] : memref<40x50xi32, #tpu.memory_space<vmem>> -> memref<1x50xi32, #tpu.memory_space<vmem>>
          %dma_wait3A_173 = tpu.memref_squeeze %dma_wait3A_172 : memref<1x50xi32, #tpu.memory_space<vmem>> -> memref<50xi32, #tpu.memory_space<vmem>>
          %dma_wait3A_174 = arith.constant 0 : i32
          %dma_wait3A_175 = arith.constant 0 : i32
          %dma_wait3A_176 = tpu.memref_slice %arg17[%dma_wait3A_174, %dma_wait3A_175] : memref<10240x128xf32, #tpu.memory_space<vmem_shared>> -> memref<10240x128xf32, #tpu.memory_space<vmem_shared>>
          tpu.wait_indirect_dma semaphore(%run_scoped3A : memref<!tpu.dma_semaphore, #tpu.memory_space<semaphore_mem>>) src(%arg16 : memref<50x128xf32, #tpu.memory_space<vmem>>) dst(%dma_wait3A_176 : memref<10240x128xf32, #tpu.memory_space<vmem_shared>>)
          tpu.yield
        }) : () -> ()
        %dma_start3A_153 = arith.constant 0 : i32
        %dma_start3A_154 = tpu.memref_slice %arg11[%add3A_146, %dma_start3A_153] : memref<40x50xi32, #tpu.memory_space<vmem>> -> memref<1x50xi32, #tpu.memory_space<vmem>>
        %dma_start3A_155 = tpu.memref_squeeze %dma_start3A_154 : memref<1x50xi32, #tpu.memory_space<vmem>> -> memref<50xi32, #tpu.memory_space<vmem>>
        %dma_start3A_156 = arith.constant 0 : i32
        %dma_start3A_157 = arith.constant 0 : i32
        %dma_start3A_158 = tpu.memref_slice %arg24[%dma_start3A_156, %dma_start3A_157] : memref<10240x16xf32, #tpu.memory_space<vmem_shared>> -> memref<10240x16xf32, #tpu.memory_space<vmem_shared>>
        tpu.enqueue_indirect_dma source(%arg23 : memref<50x16xf32, #tpu.memory_space<vmem>>) target(%dma_start3A_158 : memref<10240x16xf32, #tpu.memory_space<vmem_shared>>) offsets(%dma_start3A_155 : memref<50xi32, #tpu.memory_space<vmem>>) semaphore(%arg25 : memref<!tpu.dma_semaphore, #tpu.memory_space<semaphore_mem>>) {add = true}
        %lt3A_159 = arith.constant 7 : i32
        %lt3A_160 = arith.cmpi slt, %scan3A_61, %lt3A_159 : i32
        %convert_element_type3A_161 = arith.extui %lt3A_160 : i1 to i32
        %cond3A_162 = arith.constant 0 : i32
        %cond3A_163 = arith.cmpi ne, %convert_element_type3A_161, %cond3A_162 : i32
        scf.if %cond3A_163 {
          %add3A_165 = arith.constant 5 : i32
          %add3A_166 = arith.addi %add3A_146, %add3A_165 : i32
          %dma_start3A_167 = arith.constant 0 : i32
          %dma_start3A_168 = tpu.memref_slice %arg10[%add3A_166, %dma_start3A_167] : memref<40x50xi32, #tpu.memory_space<vmem>> -> memref<1x50xi32, #tpu.memory_space<vmem>>
          %dma_start3A_169 = tpu.memref_squeeze %dma_start3A_168 : memref<1x50xi32, #tpu.memory_space<vmem>> -> memref<50xi32, #tpu.memory_space<vmem>>
          %dma_start3A_170 = arith.constant 0 : i32
          %dma_start3A_171 = arith.constant 0 : i32
          %dma_start3A_172 = tpu.memref_slice %arg2[%dma_start3A_170, %dma_start3A_171] : memref<10000x128xf32, #tpu.memory_space<hbm>> -> memref<10000x128xf32, #tpu.memory_space<hbm>>
          tpu.enqueue_indirect_dma source(%dma_start3A_172 : memref<10000x128xf32, #tpu.memory_space<hbm>>) target(%arg16 : memref<50x128xf32, #tpu.memory_space<vmem>>) offsets(%dma_start3A_169 : memref<50xi32, #tpu.memory_space<vmem>>) semaphore(%arg22 : memref<!tpu.dma_semaphore, #tpu.memory_space<semaphore_mem>>)
        } else {
        }
        %scan3A_164 = arith.constant 0 : i32
        scf.yield %scan3A_164 : i32
      }
      %scan3A_52 = arith.constant 8 : i32
      %scan3A_53 = arith.constant 0 : i32
      %scan3A_54 = arith.constant 0 : i32
      %scan3A_55 = arith.constant 40 : i32
      %scan3A_56 = arith.addi %scan3A_54, %scan3A_55 : i32
      %scan3A_57 = arith.constant 1 : i32
      %scan3A_58 = scf.for %scan3A_61 = %scan3A_54 to %scan3A_56 step %scan3A_57 iter_args(%scan3A_62 = %scan3A_53) -> (i32)  : i32 {
        %dma_wait3A = arith.constant 0 : i32
        %dma_wait3A_63 = tpu.memref_slice %arg11[%scan3A_61, %dma_wait3A] : memref<40x50xi32, #tpu.memory_space<vmem>> -> memref<1x50xi32, #tpu.memory_space<vmem>>
        %dma_wait3A_64 = tpu.memref_squeeze %dma_wait3A_63 : memref<1x50xi32, #tpu.memory_space<vmem>> -> memref<50xi32, #tpu.memory_space<vmem>>
        %dma_wait3A_65 = arith.constant 0 : i32
        %dma_wait3A_66 = arith.constant 0 : i32
        %dma_wait3A_67 = tpu.memref_slice %arg24[%dma_wait3A_65, %dma_wait3A_66] : memref<10240x16xf32, #tpu.memory_space<vmem_shared>> -> memref<10240x16xf32, #tpu.memory_space<vmem_shared>>
        tpu.wait_indirect_dma semaphore(%arg25 : memref<!tpu.dma_semaphore, #tpu.memory_space<semaphore_mem>>) src(%arg23 : memref<50x16xf32, #tpu.memory_space<vmem>>) dst(%dma_wait3A_67 : memref<10240x16xf32, #tpu.memory_space<vmem_shared>>)
        %scan3A_68 = arith.constant 0 : i32
        scf.yield %scan3A_68 : i32
      }
      %scan3A_59 = arith.constant 40 : i32
      %scan3A_60 = arith.constant 0 : i32
      scf.yield %scan3A_60 : i32
    }
    %scan3A_8 = arith.constant 5 : i32
    %barrier3A_9 = arith.constant 0 : index
    tpu.barrier barrier_id(%barrier3A_9)
    "tpu.region"() ({
      %run_scoped3A = tpu.sem_alloc : memref<!tpu.dma_semaphore, #tpu.memory_space<semaphore_mem>>
      %dma_start3A = arith.constant 0 : i32
      %dma_start3A_10 = tpu.memref_slice %arg8[%arg0, %mul3A_2, %dma_start3A] : memref<2x10240x128xf32, #tpu.memory_space<hbm>> -> memref<1x640x128xf32, #tpu.memory_space<hbm>>
      %dma_start3A_11 = tpu.memref_squeeze %dma_start3A_10 : memref<1x640x128xf32, #tpu.memory_space<hbm>> -> memref<640x128xf32, #tpu.memory_space<hbm>>
      %dma_start3A_12 = arith.constant 0 : i32
      %dma_start3A_13 = tpu.memref_slice %arg17[%mul3A_2, %dma_start3A_12] : memref<10240x128xf32, #tpu.memory_space<vmem_shared>> -> memref<640x128xf32, #tpu.memory_space<vmem_shared>>
      tpu.enqueue_dma source(%dma_start3A_13 : memref<640x128xf32, #tpu.memory_space<vmem_shared>>) target(%dma_start3A_11 : memref<640x128xf32, #tpu.memory_space<hbm>>) target_semaphore(%run_scoped3A : memref<!tpu.dma_semaphore, #tpu.memory_space<semaphore_mem>>)
      %dma_wait3A = arith.constant 0 : i32
      %dma_wait3A_14 = tpu.memref_slice %arg8[%arg0, %mul3A_2, %dma_wait3A] : memref<2x10240x128xf32, #tpu.memory_space<hbm>> -> memref<1x640x128xf32, #tpu.memory_space<hbm>>
      %dma_wait3A_15 = tpu.memref_squeeze %dma_wait3A_14 : memref<1x640x128xf32, #tpu.memory_space<hbm>> -> memref<640x128xf32, #tpu.memory_space<hbm>>
      %dma_wait3A_16 = arith.constant 0 : i32
      %dma_wait3A_17 = tpu.memref_slice %arg17[%mul3A_2, %dma_wait3A_16] : memref<10240x128xf32, #tpu.memory_space<vmem_shared>> -> memref<640x128xf32, #tpu.memory_space<vmem_shared>>
      tpu.wait_dma2 semaphore(%run_scoped3A : memref<!tpu.dma_semaphore, #tpu.memory_space<semaphore_mem>>) src(%dma_wait3A_17 : memref<640x128xf32, #tpu.memory_space<vmem_shared>>) dst(%dma_wait3A_15 : memref<640x128xf32, #tpu.memory_space<hbm>>)
      tpu.yield
    }) : () -> ()
    "tpu.region"() ({
      %run_scoped3A = tpu.sem_alloc : memref<!tpu.dma_semaphore, #tpu.memory_space<semaphore_mem>>
      %dma_start3A = arith.constant 0 : i32
      %dma_start3A_10 = tpu.memref_slice %arg9[%arg0, %mul3A_2, %dma_start3A] : memref<2x10240x16xf32, #tpu.memory_space<hbm>> -> memref<1x640x16xf32, #tpu.memory_space<hbm>>
      %dma_start3A_11 = tpu.memref_squeeze %dma_start3A_10 : memref<1x640x16xf32, #tpu.memory_space<hbm>> -> memref<640x16xf32, #tpu.memory_space<hbm>>
      %dma_start3A_12 = arith.constant 0 : i32
      %dma_start3A_13 = tpu.memref_slice %arg24[%mul3A_2, %dma_start3A_12] : memref<10240x16xf32, #tpu.memory_space<vmem_shared>> -> memref<640x16xf32, #tpu.memory_space<vmem_shared>>
      tpu.enqueue_dma source(%dma_start3A_13 : memref<640x16xf32, #tpu.memory_space<vmem_shared>>) target(%dma_start3A_11 : memref<640x16xf32, #tpu.memory_space<hbm>>) target_semaphore(%run_scoped3A : memref<!tpu.dma_semaphore, #tpu.memory_space<semaphore_mem>>)
      %dma_wait3A = arith.constant 0 : i32
      %dma_wait3A_14 = tpu.memref_slice %arg9[%arg0, %mul3A_2, %dma_wait3A] : memref<2x10240x16xf32, #tpu.memory_space<hbm>> -> memref<1x640x16xf32, #tpu.memory_space<hbm>>
      %dma_wait3A_15 = tpu.memref_squeeze %dma_wait3A_14 : memref<1x640x16xf32, #tpu.memory_space<hbm>> -> memref<640x16xf32, #tpu.memory_space<hbm>>
      %dma_wait3A_16 = arith.constant 0 : i32
      %dma_wait3A_17 = tpu.memref_slice %arg24[%mul3A_2, %dma_wait3A_16] : memref<10240x16xf32, #tpu.memory_space<vmem_shared>> -> memref<640x16xf32, #tpu.memory_space<vmem_shared>>
      tpu.wait_dma2 semaphore(%run_scoped3A : memref<!tpu.dma_semaphore, #tpu.memory_space<semaphore_mem>>) src(%dma_wait3A_17 : memref<640x16xf32, #tpu.memory_space<vmem_shared>>) dst(%dma_wait3A_15 : memref<640x16xf32, #tpu.memory_space<hbm>>)
      tpu.yield
    }) : () -> ()
    return
  }
}

module attributes {stable_mosaic.version = 14 : i64} {
  func.func @_update1_body(%arg0: i32, %arg1: memref<1000x128xf32, #tpu.memory_space<vmem>>, %arg2: memref<2x1000x128xf32, #tpu.memory_space<vmem>>, %arg3: memref<2x1000x16xf32, #tpu.memory_space<vmem>>, %arg4: memref<256x128xf32, #tpu.memory_space<vmem>>, %arg5: memref<1x128xf32, #tpu.memory_space<vmem>>, %arg6: memref<1000x128xf32, #tpu.memory_space<vmem>>, %arg7: memref<1000x16xf32, #tpu.memory_space<vmem>>) attributes {dimension_semantics = [#tpu.dimension_semantics<arbitrary>], iteration_bounds = array<i64: 10>, scalar_prefetch = 0 : i64, scratch_operands = 0 : i64, tpu.core_type = #tpu.core_type<tc>, window_params = [{transform_indices = @transform_0, window_bounds = array<i64: 1000, 128>}, {transform_indices = @transform_1, window_bounds = array<i64: 2, 1000, 128>}, {transform_indices = @transform_2, window_bounds = array<i64: 2, 1000, 16>}, {pipeline_mode = #tpu.pipeline_mode<synchronous>, transform_indices = @transform_3, window_bounds = array<i64: 256, 128>}, {pipeline_mode = #tpu.pipeline_mode<synchronous>, transform_indices = @transform_4, window_bounds = array<i64: 1, 128>}, {transform_indices = @transform_5, window_bounds = array<i64: 1000, 128>}, {transform_indices = @transform_6, window_bounds = array<i64: 1000, 16>}]} {
    %get3A = arith.constant 0 : index
    %get3A_0 = arith.constant 0 : index
    %get3A_1 = arith.constant 0 : index
    %get3A_2 = vector.load %arg2[%get3A, %get3A_0, %get3A_1] : memref<2x1000x128xf32, #tpu.memory_space<vmem>>, vector<1x1000x128xf32>
    %get3A_3 = vector.shape_cast %get3A_2 : vector<1x1000x128xf32> to vector<1000x128xf32>
    %get3A_4 = arith.constant 1 : index
    %get3A_5 = arith.constant 0 : index
    %get3A_6 = arith.constant 0 : index
    %get3A_7 = vector.load %arg2[%get3A_4, %get3A_5, %get3A_6] : memref<2x1000x128xf32, #tpu.memory_space<vmem>>, vector<1x1000x128xf32>
    %get3A_8 = vector.shape_cast %get3A_7 : vector<1x1000x128xf32> to vector<1000x128xf32>
    %add3A = arith.addf %get3A_3, %get3A_8 : vector<1000x128xf32>
    %get3A_9 = arith.constant 0 : index
    %get3A_10 = arith.constant 0 : index
    %get3A_11 = arith.constant 0 : index
    %get3A_12 = vector.load %arg3[%get3A_9, %get3A_10, %get3A_11] : memref<2x1000x16xf32, #tpu.memory_space<vmem>>, vector<1x1000x1xf32>
    %get3A_13 = vector.shape_cast %get3A_12 : vector<1x1000x1xf32> to vector<1000x1xf32>
    %get3A_14 = arith.constant 1 : index
    %get3A_15 = arith.constant 0 : index
    %get3A_16 = arith.constant 0 : index
    %get3A_17 = vector.load %arg3[%get3A_14, %get3A_15, %get3A_16] : memref<2x1000x16xf32, #tpu.memory_space<vmem>>, vector<1x1000x1xf32>
    %get3A_18 = vector.shape_cast %get3A_17 : vector<1x1000x1xf32> to vector<1000x1xf32>
    %add3A_19 = arith.addf %get3A_13, %get3A_18 : vector<1000x1xf32>
    %gt3A = arith.constant 0.000000e+00 : f32
    %gt3A_20 = vector.broadcast %gt3A : f32 to vector<1000x1xf32>
    %gt3A_21 = arith.cmpf ogt, %add3A_19, %gt3A_20 : vector<1000x1xf32>
    %max3A = arith.constant 1.000000e+00 : f32
    %max3A_22 = vector.broadcast %max3A : f32 to vector<1000x1xf32>
    %max3A_23 = arith.maximumf %add3A_19, %max3A_22 : vector<1000x1xf32>
    %div3A = arith.constant 1.000000e+00 : f32
    %div3A_24 = vector.broadcast %div3A : f32 to vector<1000x1xf32>
    %div3A_25 = arith.divf %div3A_24, %max3A_23 : vector<1000x1xf32>
    %jit3A = arith.constant 0.000000e+00 : f32
    %broadcast_in_dim3A = vector.broadcast %jit3A : f32 to vector<1000x1xf32>
    %select_n3A = arith.select %gt3A_21, %div3A_25, %broadcast_in_dim3A : vector<1000x1xi1>, vector<1000x1xf32>
    %mul3A = vector.broadcast %select_n3A : vector<1000x1xf32> to vector<1000x128xf32>
    %mul3A_26 = arith.mulf %add3A, %mul3A : vector<1000x128xf32>
    %get3A_27 = arith.constant 0 : index
    %get3A_28 = arith.constant 0 : index
    %get3A_29 = vector.load %arg1[%get3A_27, %get3A_28] : memref<1000x128xf32, #tpu.memory_space<vmem>>, vector<1000x128xf32>
    %get3A_30 = arith.constant 0 : index
    %get3A_31 = arith.constant 0 : index
    %get3A_32 = vector.load %arg4[%get3A_30, %get3A_31] : memref<256x128xf32, #tpu.memory_space<vmem>>, vector<128x128xf32>
    %dot_general3A = arith.constant dense<0.000000e+00> : vector<1000x128xf32>
    %dot_general3A_33 = tpu.matmul %get3A_29, %get3A_32, %dot_general3A {dimension_numbers = #tpu.dot_dimension_numbers<[1], [0], [0], [1], [0, 0, 1, 1], [], []>, transpose_lhs_hint = false} : vector<1000x128xf32>, vector<128x128xf32>, vector<1000x128xf32> -> vector<1000x128xf32>
    %get3A_34 = arith.constant 128 : index
    %get3A_35 = arith.constant 0 : index
    %get3A_36 = vector.load %arg4[%get3A_34, %get3A_35] : memref<256x128xf32, #tpu.memory_space<vmem>>, vector<128x128xf32>
    %dot_general3A_37 = arith.constant dense<0.000000e+00> : vector<1000x128xf32>
    %dot_general3A_38 = tpu.matmul %mul3A_26, %get3A_36, %dot_general3A_37 {dimension_numbers = #tpu.dot_dimension_numbers<[1], [0], [0], [1], [0, 0, 1, 1], [], []>, transpose_lhs_hint = false} : vector<1000x128xf32>, vector<128x128xf32>, vector<1000x128xf32> -> vector<1000x128xf32>
    %add3A_39 = arith.addf %dot_general3A_33, %dot_general3A_38 : vector<1000x128xf32>
    %get3A_40 = arith.constant 0 : index
    %get3A_41 = arith.constant 0 : index
    %get3A_42 = vector.load %arg5[%get3A_40, %get3A_41] : memref<1x128xf32, #tpu.memory_space<vmem>>, vector<1x128xf32>
    %add3A_43 = vector.broadcast %get3A_42 : vector<1x128xf32> to vector<1000x128xf32>
    %add3A_44 = arith.addf %add3A_39, %add3A_43 : vector<1000x128xf32>
    %max3A_45 = arith.constant 0.000000e+00 : f32
    %max3A_46 = vector.broadcast %max3A_45 : f32 to vector<1000x128xf32>
    %max3A_47 = arith.maximumf %add3A_44, %max3A_46 : vector<1000x128xf32>
    %swap3A = arith.constant 0 : index
    %swap3A_48 = arith.constant 0 : index
    %swap3A_49 = vector.load %arg6[%swap3A, %swap3A_48] : memref<1000x128xf32, #tpu.memory_space<vmem>>, vector<1000x128xf32>
    tpu.vector_store %arg6[%swap3A, %swap3A_48], %max3A_47 {strides = array<i32>} : memref<1000x128xf32, #tpu.memory_space<vmem>>, vector<1000x128xf32>,
    %broadcast_in_dim3A_50 = vector.shape_cast %select_n3A : vector<1000x1xf32> to vector<1000x1xf32>
    %broadcast_in_dim3A_51 = vector.broadcast %broadcast_in_dim3A_50 : vector<1000x1xf32> to vector<1000x16xf32>
    %swap3A_52 = arith.constant 0 : index
    %swap3A_53 = arith.constant 0 : index
    %swap3A_54 = vector.load %arg7[%swap3A_52, %swap3A_53] : memref<1000x16xf32, #tpu.memory_space<vmem>>, vector<1000x16xf32>
    tpu.vector_store %arg7[%swap3A_52, %swap3A_53], %broadcast_in_dim3A_51 {strides = array<i32>} : memref<1000x16xf32, #tpu.memory_space<vmem>>, vector<1000x16xf32>,
    return
  }
  func.func @transform_0(%arg0: i32) -> (i32, i32) {
    %c0_i32 = arith.constant 0 : i32
    %c0_i32_0 = arith.constant 0 : i32
    return %arg0, %c0_i32 : i32, i32
  }
  func.func @transform_1(%arg0: i32) -> (i32, i32, i32) {
    %c0_i32 = arith.constant 0 : i32
    %c0_i32_0 = arith.constant 0 : i32
    %c0_i32_1 = arith.constant 0 : i32
    return %c0_i32, %arg0, %c0_i32_0 : i32, i32, i32
  }
  func.func @transform_2(%arg0: i32) -> (i32, i32, i32) {
    %c0_i32 = arith.constant 0 : i32
    %c0_i32_0 = arith.constant 0 : i32
    %c0_i32_1 = arith.constant 0 : i32
    return %c0_i32, %arg0, %c0_i32_0 : i32, i32, i32
  }
  func.func @transform_3(%arg0: i32) -> (i32, i32) {
    %c0_i32 = arith.constant 0 : i32
    %c0_i32_0 = arith.constant 0 : i32
    %c0_i32_1 = arith.constant 0 : i32
    return %c0_i32, %c0_i32_0 : i32, i32
  }
  func.func @transform_4(%arg0: i32) -> (i32, i32) {
    %c0_i32 = arith.constant 0 : i32
    %c0_i32_0 = arith.constant 0 : i32
    %c0_i32_1 = arith.constant 0 : i32
    return %c0_i32, %c0_i32_0 : i32, i32
  }
  func.func @transform_5(%arg0: i32) -> (i32, i32) {
    %c0_i32 = arith.constant 0 : i32
    %c0_i32_0 = arith.constant 0 : i32
    return %arg0, %c0_i32 : i32, i32
  }
  func.func @transform_6(%arg0: i32) -> (i32, i32) {
    %c0_i32 = arith.constant 0 : i32
    %c0_i32_0 = arith.constant 0 : i32
    return %arg0, %c0_i32 : i32, i32
  }
}

module attributes {stable_mosaic.version = 14 : i64} {
  func.func @_update2_body(%arg0: i32, %arg1: memref<1000x128xf32, #tpu.memory_space<vmem>>, %arg2: memref<2x1000x128xf32, #tpu.memory_space<vmem>>, %arg3: memref<1000x16xf32, #tpu.memory_space<vmem>>, %arg4: memref<256x128xf32, #tpu.memory_space<vmem>>, %arg5: memref<1x128xf32, #tpu.memory_space<vmem>>, %arg6: memref<1000x128xf32, #tpu.memory_space<vmem>>) attributes {dimension_semantics = [#tpu.dimension_semantics<arbitrary>], iteration_bounds = array<i64: 10>, scalar_prefetch = 0 : i64, scratch_operands = 0 : i64, tpu.core_type = #tpu.core_type<tc>, window_params = [{transform_indices = @transform_0, window_bounds = array<i64: 1000, 128>}, {transform_indices = @transform_1, window_bounds = array<i64: 2, 1000, 128>}, {transform_indices = @transform_2, window_bounds = array<i64: 1000, 16>}, {pipeline_mode = #tpu.pipeline_mode<synchronous>, transform_indices = @transform_3, window_bounds = array<i64: 256, 128>}, {pipeline_mode = #tpu.pipeline_mode<synchronous>, transform_indices = @transform_4, window_bounds = array<i64: 1, 128>}, {transform_indices = @transform_5, window_bounds = array<i64: 1000, 128>}]} {
    %get3A = arith.constant 0 : index
    %get3A_0 = arith.constant 0 : index
    %get3A_1 = arith.constant 0 : index
    %get3A_2 = vector.load %arg2[%get3A, %get3A_0, %get3A_1] : memref<2x1000x128xf32, #tpu.memory_space<vmem>>, vector<1x1000x128xf32>
    %get3A_3 = vector.shape_cast %get3A_2 : vector<1x1000x128xf32> to vector<1000x128xf32>
    %get3A_4 = arith.constant 1 : index
    %get3A_5 = arith.constant 0 : index
    %get3A_6 = arith.constant 0 : index
    %get3A_7 = vector.load %arg2[%get3A_4, %get3A_5, %get3A_6] : memref<2x1000x128xf32, #tpu.memory_space<vmem>>, vector<1x1000x128xf32>
    %get3A_8 = vector.shape_cast %get3A_7 : vector<1x1000x128xf32> to vector<1000x128xf32>
    %add3A = arith.addf %get3A_3, %get3A_8 : vector<1000x128xf32>
    %get3A_9 = arith.constant 0 : index
    %get3A_10 = arith.constant 0 : index
    %get3A_11 = vector.load %arg3[%get3A_9, %get3A_10] : memref<1000x16xf32, #tpu.memory_space<vmem>>, vector<1000x1xf32>
    %mul3A = vector.broadcast %get3A_11 : vector<1000x1xf32> to vector<1000x128xf32>
    %mul3A_12 = arith.mulf %add3A, %mul3A : vector<1000x128xf32>
    %get3A_13 = arith.constant 0 : index
    %get3A_14 = arith.constant 0 : index
    %get3A_15 = vector.load %arg1[%get3A_13, %get3A_14] : memref<1000x128xf32, #tpu.memory_space<vmem>>, vector<1000x128xf32>
    %get3A_16 = arith.constant 0 : index
    %get3A_17 = arith.constant 0 : index
    %get3A_18 = vector.load %arg4[%get3A_16, %get3A_17] : memref<256x128xf32, #tpu.memory_space<vmem>>, vector<128x128xf32>
    %dot_general3A = arith.constant dense<0.000000e+00> : vector<1000x128xf32>
    %dot_general3A_19 = tpu.matmul %get3A_15, %get3A_18, %dot_general3A {dimension_numbers = #tpu.dot_dimension_numbers<[1], [0], [0], [1], [0, 0, 1, 1], [], []>, transpose_lhs_hint = false} : vector<1000x128xf32>, vector<128x128xf32>, vector<1000x128xf32> -> vector<1000x128xf32>
    %get3A_20 = arith.constant 128 : index
    %get3A_21 = arith.constant 0 : index
    %get3A_22 = vector.load %arg4[%get3A_20, %get3A_21] : memref<256x128xf32, #tpu.memory_space<vmem>>, vector<128x128xf32>
    %dot_general3A_23 = arith.constant dense<0.000000e+00> : vector<1000x128xf32>
    %dot_general3A_24 = tpu.matmul %mul3A_12, %get3A_22, %dot_general3A_23 {dimension_numbers = #tpu.dot_dimension_numbers<[1], [0], [0], [1], [0, 0, 1, 1], [], []>, transpose_lhs_hint = false} : vector<1000x128xf32>, vector<128x128xf32>, vector<1000x128xf32> -> vector<1000x128xf32>
    %add3A_25 = arith.addf %dot_general3A_19, %dot_general3A_24 : vector<1000x128xf32>
    %get3A_26 = arith.constant 0 : index
    %get3A_27 = arith.constant 0 : index
    %get3A_28 = vector.load %arg5[%get3A_26, %get3A_27] : memref<1x128xf32, #tpu.memory_space<vmem>>, vector<1x128xf32>
    %add3A_29 = vector.broadcast %get3A_28 : vector<1x128xf32> to vector<1000x128xf32>
    %add3A_30 = arith.addf %add3A_25, %add3A_29 : vector<1000x128xf32>
    %max3A = arith.constant 0.000000e+00 : f32
    %max3A_31 = vector.broadcast %max3A : f32 to vector<1000x128xf32>
    %max3A_32 = arith.maximumf %add3A_30, %max3A_31 : vector<1000x128xf32>
    %swap3A = arith.constant 0 : index
    %swap3A_33 = arith.constant 0 : index
    %swap3A_34 = vector.load %arg6[%swap3A, %swap3A_33] : memref<1000x128xf32, #tpu.memory_space<vmem>>, vector<1000x128xf32>
    tpu.vector_store %arg6[%swap3A, %swap3A_33], %max3A_32 {strides = array<i32>} : memref<1000x128xf32, #tpu.memory_space<vmem>>, vector<1000x128xf32>,
    return
  }
  func.func @transform_0(%arg0: i32) -> (i32, i32) {
    %c0_i32 = arith.constant 0 : i32
    %c0_i32_0 = arith.constant 0 : i32
    return %arg0, %c0_i32 : i32, i32
  }
  func.func @transform_1(%arg0: i32) -> (i32, i32, i32) {
    %c0_i32 = arith.constant 0 : i32
    %c0_i32_0 = arith.constant 0 : i32
    %c0_i32_1 = arith.constant 0 : i32
    return %c0_i32, %arg0, %c0_i32_0 : i32, i32, i32
  }
  func.func @transform_2(%arg0: i32) -> (i32, i32) {
    %c0_i32 = arith.constant 0 : i32
    %c0_i32_0 = arith.constant 0 : i32
    return %arg0, %c0_i32 : i32, i32
  }
  func.func @transform_3(%arg0: i32) -> (i32, i32) {
    %c0_i32 = arith.constant 0 : i32
    %c0_i32_0 = arith.constant 0 : i32
    %c0_i32_1 = arith.constant 0 : i32
    return %c0_i32, %c0_i32_0 : i32, i32
  }
  func.func @transform_4(%arg0: i32) -> (i32, i32) {
    %c0_i32 = arith.constant 0 : i32
    %c0_i32_0 = arith.constant 0 : i32
    %c0_i32_1 = arith.constant 0 : i32
    return %c0_i32, %c0_i32_0 : i32, i32
  }
  func.func @transform_5(%arg0: i32) -> (i32, i32) {
    %c0_i32 = arith.constant 0 : i32
    %c0_i32_0 = arith.constant 0 : i32
    return %arg0, %c0_i32 : i32, i32
  }
}

</mosaic_0001>

<sc_bundles>
// kernel: kernel.6.cloned.1.call-start
scs
__scs_entry_jumppad:
0x0: {  	(pc) =	sbr.rel $0x88, $3  }
0x1: {  	(tag) =	ssettag $0x0;
	lr =	simm.s32 $0x1  }
0x2: {  	[smem:$0x3F9B] =	sst lr;
	_ =	strace $0xD0000000  }
0x3: {  	_ = 	snop  }
0x4: {  	_ = 	snop  }
0x5: {  	_ = 	snop  }
0x6: {  	_ = 	snop  }
0x7: {  	_ = 	snop  }
__scs_overlays_trampoline_lowered:
0x8: {  	[smem:$0x3FAA] =	sst s0  }
0x9: {  	[smem:$0x3FAB] =	sst s1  }
0xa: {  	[smem:$0x3FAC] =	sst s2  }
0xb: {  	[smem:$0x3FAD] =	sst s3  }
0xc: {  	[smem:$0x3FAE] =	sst s4  }
0xd: {  	[smem:$0x3FAF] =	sst s5  }
0xe: {  	[smem:$0x3FB0] =	sst s6  }
0xf: {  	[smem:$0x3FB1] =	sst s7  }
0x10: {  	[smem:$0x3FB2] =	sst s8  }
0x11: {  	[smem:$0x3FB3] =	sst s9;
	s0 =	simm.s32 @!p0 $0x0  }
0x12: {  	s1 =	sld [smem:$0x3F99];
	s0 =	simm.s32 @p0 $0x1  }
0x13: {  	[smem:$0x3FB4] =	sst s0;
	s0 =	simm.s32 @!p1 $0x0  }
0x14: {  	s2 =	sld [smem:$0x3F98];
	s0 =	simm.s32 @p1 $0x1  }
0x15: {  	[smem:$0x3FB5] =	sst s0;
	s0 =	simm.s32 @!p2 $0x0  }
0x16: {  	s3 =	sld [smem:$0x3FDB];
	s0 =	simm.s32 @p2 $0x1  }
0x17: {  	s4 =	simm.s32 $0x1BF5;
	[smem:$0x3FB7] =	sst s0  }
0x18: {  	s0 =	sld [smem:$0x3F9A];
	_ =	swait.ge [sflag:s4], $0x0  }
0x19: {  	s7 =	sld [smem:$0x3F9B]  }
0x1a: {  	s8 =	sadd.s32 $0xFFFFE003, lr  }
0x1b: {  	s9 =	sadd.s32 $0xFFFFFEF7, lr;
	s5 =	simm.s32 $0xFFFFFFFF;
	p2 =	slt.u32 s8, $0xFFFFF086  }
0x1c: {  	p1 =	slt.u32 s9, $0xF7A;
	s5 =	simm.s32 @!p2 $0x0  }
0x1d: {  	s5 =	simm.s32 @p1 $0x1;
	p0 =	seq.s32 s7, s2  }
0x1e: {  	s7 =	smul.u32 @!p0 $0xF7A, s2;
	p2 =	seq.s32 @!p0 s5, $0x0  }
0x1f: {  	s9 =	smul.u32 $0xF7A, s1;
	s8 =	simm.s32 @!p0 $0x1BF5;
	p2 =	por !p2, p0  }
0x20: {  	[sflag:s8] =	ssyncset.s32 @!p0 $0xFFFFF086;
	s6 =	sadd.s32 @!p0 s3, s7;
	s7 =	simm.s32 @!p0 $0x108  }
0x21: {  	s3 =	sadd.s32 s3, s9;
	s6 =	sadd.s32 @!p0 $0x88, s6;
	s7 =	simm.s32 @p2 $0x1082  }
0x22: {  	[simem:s7], [sflag:s8] =	dma.local @!p0 [hbm:s6], $0xF7A  }
0x23: {  	s9 =	sor.u32 $0xD0000000, s2;
	s6 =	simm.s32 $0x108;
	_ =	swait.ge @!p0 [sflag:s8], $0x0  }
0x24: {  	s3 =	sadd.s32 $0x88, s3;
	s6 =	simm.s32 @!p1 $0x1082;
	[sflag:s4] =	ssyncset.s32 $0xFFFFF086  }
0x25: {  	[simem:s6], [sflag:s4] =	dma.local [hbm:s3], $0xF7A  }
0x26: {  	[smem:$0x3F9B] =	sst s1;
	(tag) =	ssettag s2;
	_ =	strace s9  }
0x27: {  	s1 =	sld [smem:$0x3FAB]  }
0x28: {  	s2 =	sld [smem:$0x3FAC]  }
0x29: {  	s4 =	sld [smem:$0x3FAE]  }
0x2a: {  	p0 =	seq.s32 s5, $0x0;
	s5 =	sld [smem:$0x3FAF]  }
0x2b: {  	s6 =	sld [smem:$0x3FB0]  }
0x2c: {  	s7 =	sld [smem:$0x3FB1]  }
0x2d: {  	s3 =	simm.s32 $0x108;
	s8 =	sld [smem:$0x3FB2]  }
0x2e: {  	s3 =	simm.s32 @!p0 $0x1082;
	s9 =	sld [smem:$0x3FB3]  }
0x2f: {  	lr =	sadd.s32 s0, s3;
	s0 =	sld [smem:$0x3FAA]  }
0x30: {  	s3 =	sld [smem:$0x3FAD]  }
0x31: {  	[smem:$0x3FB6] =	sst s10  }
0x32: {  	s10 =	sld [smem:$0x3FB4];
	_ =	sdelay $0x3  }
0x33: {  	p0 =	seq.s32 s10, $0x1;
	s10 =	sld [smem:$0x3FB6];
	_ =	sdelay $0x3  }
0x34: {  	[smem:$0x3FB6] =	sst s10  }
0x35: {  	s10 =	sld [smem:$0x3FB5];
	_ =	sdelay $0x3  }
0x36: {  	p1 =	seq.s32 s10, $0x1;
	s10 =	sld [smem:$0x3FB6];
	_ =	sdelay $0x3  }
0x37: {  	[smem:$0x3FB6] =	sst s10  }
0x38: {  	s10 =	sld [smem:$0x3FB7]  }
0x39: {  	_ = 	snop;
	(pc) =	sbr.ind lr, $3  }
0x3a: {  	_ = 	snop  }
0x3b: {  	_ = 	snop  }
0x3c: {  	p2 =	seq.s32 s10, $0x1;
	s10 =	sld [smem:$0x3FB6]  }
0x3d: {  	_ =	shalt  }
0x3e: {  	_ =	shalt  }
0x3f: {  	_ =	shalt  }
0x40: {  	_ =	shalt  }
0x41: {  	_ =	shalt  }
0x42: {  	_ =	shalt  }
0x43: {  	_ =	shalt  }
0x44: {  	_ =	shalt  }
0x45: {  	_ =	shalt  }
0x46: {  	_ =	shalt  }
0x47: {  	_ =	shalt  }
0x48: {  	_ =	shalt  }
0x49: {  	_ =	shalt  }
0x4a: {  	_ =	shalt  }
0x4b: {  	_ =	shalt  }
0x4c: {  	_ =	shalt  }
0x4d: {  	_ =	shalt  }
0x4e: {  	_ =	shalt  }
0x4f: {  	_ =	shalt  }
0x50: {  	_ =	shalt  }
0x51: {  	_ =	shalt  }
0x52: {  	_ =	shalt  }
0x53: {  	_ =	shalt  }
0x54: {  	_ =	shalt  }
0x55: {  	_ =	shalt  }
0x56: {  	_ =	shalt  }
0x57: {  	_ =	shalt  }
0x58: {  	_ =	shalt  }
0x59: {  	_ =	shalt  }
0x5a: {  	_ =	shalt  }
0x5b: {  	_ =	shalt  }
0x5c: {  	_ =	shalt  }
0x5d: {  	_ =	shalt  }
0x5e: {  	_ =	shalt  }
0x5f: {  	_ =	shalt  }
0x60: {  	_ =	shalt  }
0x61: {  	_ =	shalt  }
0x62: {  	_ =	shalt  }
0x63: {  	_ =	shalt  }
0x64: {  	_ =	shalt  }
0x65: {  	_ =	shalt  }
0x66: {  	_ =	shalt  }
0x67: {  	_ =	shalt  }
0x68: {  	_ =	shalt  }
0x69: {  	_ =	shalt  }
0x6a: {  	_ =	shalt  }
0x6b: {  	_ =	shalt  }
0x6c: {  	_ =	shalt  }
0x6d: {  	_ =	shalt  }
0x6e: {  	_ =	shalt  }
0x6f: {  	_ =	shalt  }
0x70: {  	_ =	shalt  }
0x71: {  	_ =	shalt  }
0x72: {  	_ =	shalt  }
0x73: {  	_ =	shalt  }
0x74: {  	_ =	shalt  }
0x75: {  	_ =	shalt  }
0x76: {  	_ =	shalt  }
0x77: {  	_ =	shalt  }
0x78: {  	_ =	shalt  }
0x79: {  	_ =	shalt  }
0x7a: {  	_ =	shalt  }
0x7b: {  	_ =	shalt  }
0x7c: {  	_ =	shalt  }
0x7d: {  	_ =	shalt  }
0x7e: {  	_ =	shalt  }
0x7f: {  	_ =	shalt  }
0x80: {  	_ =	shalt  }
0x81: {  	_ =	shalt  }
0x82: {  	_ =	shalt  }
0x83: {  	_ =	shalt  }
0x84: {  	_ =	shalt  }
0x85: {  	_ =	shalt  }
0x86: {  	_ =	shalt  }
0x87: {  	_ =	shalt  }
.Lfunc_end0:
.L_simem_size_0:
called_computation_lowered:
.L_overlay_start_0:
0x88: {  	s2 =	sld [smem:$0x3FD9]  }
0x89: {  	s3 =	sld [smem:$0x3FFE];
	_ =	sdelay $0x1  }
0x8a: {  	s1 =	srdreg.scid  }
0x8b: {  	s0 =	sand.u32 $0x1, s1  }
0x8c: {  	s17 =	sshll.u32 s0, $0xA;
	s2 =	sadd.s32 s3, s2  }
0x8d: {  	s2 =	sadd.s32 s2, s17  }
0x8e: {  	[smem:$0x3FC2] =	sst s2  }
0x8f: {  	_ = 	snop  }
0x90: {  	s2 =	sld [smem:$0x3FC9]  }
0x91: {  	s18 =	sld [smem:$0x3FD0];
	(tm) =	ssettm $0x1  }
0x92: {  	s4 =	sld [smem:$0x3FFB];
	_ =	sdelay $0x3  }
0x93: {  	_ =	strace s4  }
0x94: {  	s4 =	sld [smem:$0x3FFC];
	_ =	sdelay $0x3  }
0x95: {  	_ =	strace s4  }
0x96: {  	s4 =	sld [smem:$0x3FFD];
	_ =	sdelay $0x3  }
0x97: {  	_ =	strace s4  }
0x98: {  	_ =	strace $0x8FFFFFFF  }
0x99: {  	s19 =	sld [smem:$0x3FDB];
	_ =	sdelay $0x1  }
0x9a: {  	s5 =	simm.s32 $_scs_section_size  }
0x9b: {  	s6 =	simm.s32 $_size__tile_overlayer_lowered;
	s7 =	simm.s32 $_tile_overlayer_lowered  }
0x9c: {  	s22 =	simm.s32 $0x1BFF;
	s21 =	sshll.u32 s7, $0x1;
	s4 =	sadd.s32 s5, s19  }
0x9d: {  	s8 =	simm.s32 $0x0;
	s20 =	sshll.u32 s6, $0x1;
	s6 =	sadd.s32 s21, s4  }
0x9e: {  	[timem:s8], [sflag:s22] =	dma.local [hbm:s6], s20  }
0x9f: {  	_ =	swait.ge [sflag:s22], s20  }
0xa0: {  	s5 =	ssub.s32 $0x0, s20;
	[sflag:s22] =	ssyncset.done $0x0  }
0xa1: {  	[sflag:s22] =	ssyncadd.s32 s5;
	_ =	sdelay $0x1  }
0xa2: {  	s23 =	simm.s32 $0x1B8B  }
0xa3: {  	_ =	swait.ge [sflag:s23], $0x1  }
0xa4: {  	[sflag:s23] =	ssyncset.done $0x0  }
0xa5: {  	s25 =	simm.s32 $0x1B8E;
	s24 =	sld [smem:$0x3FFE];
	[sflag:s23] =	ssyncadd.s32 $0xFFFFFFFF  }
0xa6: {  	s26 =	simm.s32 $execute0_lowered;
	[smem:$0x3FD2] =	sst s25  }
0xa7: {  	s6 =	sshll.u32 s26, $0x1;
	_ =	strace $0x80000046;
	[dreg:$0x1] =	wrdreg $0xFFFFFFFF  }
0xa8: {  	s28 =	simm.s32 $_size_execute0_lowered;
	s4 =	sadd.s32 s4, s6;
	[dreg:$0x0] =	wrdreg $0x0  }
0xa9: {  	s6 =	sshll.u32 s28, $0x1;
	[dreg:$0x2] =	wrdreg s4  }
0xaa: {  	[dreg:$0x3] =	wrdreg s6  }
0xab: {  	[dreg:$0x4] =	wrdreg $0xC0  }
0xac: {  	_ =	task [dreg:s8], $0x5FFFF  }
0xad: {  	[dreg:$0x1] =	wrdreg $0xFFFFFFFF  }
0xae: {  	[dreg:$0x0] =	wrdreg $0x60  }
0xaf: {  	[dreg:$0x2] =	wrdreg s2  }
0xb0: {  	[dreg:$0x3] =	wrdreg s24  }
0xb1: {  	[dreg:$0x4] =	wrdreg s18  }
0xb2: {  	[dreg:$0x5] =	wrdreg $0x8E800  }
0xb3: {  	[dreg:$0x6] =	wrdreg $0x1D1A00  }
0xb4: {  	[dreg:$0x7] =	wrdreg $0x9  }
0xb5: {  	_ =	task.clear_ibuf [dreg:s8], $0x8FFFF;
	_ =	strace $0x90000046  }
0xb6: {  	s29 =	simm.s32 $0x9;
	_ =	strace $0x80000048  }
0xb7: {  	_ =	swait.ge [sflag:s29], $0x1  }
0xb8: {  	[sflag:s29] =	ssyncadd.s32 $0xFFFFFFFF  }
0xb9: {  	_ =	strace $0x90000048  }
0xba: {  	_ =	sfence  }
0xbb: {  	s30 =	sld [smem:$0x0];
	_ =	sdelay $0x2  }
0xbc: {  	s31 =	sshll.u32 s1, $0xD;
	s1 =	sshrl.u32 s1, $0x2  }
0xbd: {  	s3 =	sand.u32 $0x4000, s31;
	s1 =	sadd.s32 s1, s30  }
0xbe: {  	s0 =	sor.u32 s3, s0;
	s1 =	sshll.u32 s1, $0x11  }
0xbf: {  	s0 =	sor.u32 s1, s0  }
0xc0: {  	s0 =	sadd.s32 $0x8F2B, s0  }
0xc1: {  	[sflag:s0] =	ssyncadd.remote.s32 $0x1  }
0xc2: {  	_ =	sfence.sel $0xFFFF  }
0xc3: {  	[dreg:$0x0] =	wrdreg $0xFFFFFFFF;
	(pc) =	sbr.abs _section_cstart, $3  }
0xc4: {  	[dreg:$0x1] =	wrdreg $0xFFFFFFFF  }
0xc5: {  	_ =	task.clear_ibuf [dreg:s8], $0x2FFFF;
	_ =	strace $0x9FFFFFFF  }
0xc6: {  	(tm) =	ssettm $0x7FFFFFFF  }
0xc7: {  	_ =	shalt  }
tec
execute0_lowered:
.L_overlay_start_1:
0x0: {  	(tag) =	ssettag $0x1  }
0x1: {  	s1 =	rddreg [dreg:$0x0]  }
0x2: {  	s0 =	rddreg [dreg:$0x1]  }
0x3: {  	s2 =	rddreg [dreg:$0x2]  }
0x4: {  	s3 =	rddreg [dreg:$0x3]  }
0x5: {  	s4 =	rddreg [dreg:$0x4];
	s5 =	srdreg.scid  }
0x6: {  	s13 =	stileid.u32;
	s6 =	simm.s32 $0x0;
	s17 =	simm.s32 $0x7  }
0x7: {  	s28 =	simm.s32 $0xA8;
	s29 =	simm.s32 $0x5C80;
	s30 =	simm.s32 $0xE0  }
0x8: {  	s31 =	simm.s32 $0x7580;
	s14 =	simm.s32 $0x10D8;
	s15 =	simm.s32 $0x1110  }
0x9: {  	s16 =	simm.s32 $0x1148;
	s18 =	simm.s32 $0x6;
	s5 =	sand.u32 $0x1, s5  }
0xa: {  	s8 =	smul.u32 $0x14000, s13;
	[smem:$0x7FF] =	sst s6;
	s6 =	sadd.s32 $0xD200, s0  }
0xb: {  	s7 =	sadd.s32 $0x2200, s0;
	s10 =	sadd.s32 $0x18A00, s0;
	s19 =	sadd.s32 $0x18400, s0  }
0xc: {  	s20 =	sadd.s32 $0x18200, s0;
	_ =	strace $0x80000047;
	[dreg:$0x6] =	wrdreg s10  }
0xd: {  	s22 =	smul.u32 $0x2800, s13;
	s24 =	sshll.u32 s13, $0x6;
	[dreg:$0x7] =	wrdreg s19  }
0xe: {  	s9 =	smul.u32 $0x140000, s5;
	[dreg:$0x8] =	wrdreg s20;
	s21 =	ssub.s32 $0x2, s5  }
0xf: {  	s12 =	sshll.u32 s5, $0x4;
	s5 =	smul.u32 $0x28000, s5;
	s20 =	sor.u32 $0x1C07, s24  }
0x10: {  	s19 =	simm.s32 $0x1CE80;
	s24 =	simm.s32 $0x2A80;
	s11 =	sshrl.u32 s21, $0x1  }
0x11: {  	s23 =	sor.u32 s13, s12;
	s10 =	sadd.s32 s22, s4;
	s13 =	simm.s32 $0x10A0  }
0x12: {  	[dreg:$0x9] =	wrdreg s20;
	s9 =	sadd.s32 s8, s9;
	s8 =	sadd.s32 s8, s3  }
0x13: {  	s5 =	sadd.s32 s22, s5;
	s12 =	smul.u32 $0x2BC0, s23;
	s22 =	simm.s32 $0x1180  }
0x14: {  	s9 =	sshrl.u32 s9, $0x3;
	s5 =	sshrl.u32 s5, $0x3;
	s23 =	sshrl.u32 s8, $0x3  }
0x15: {  	s8 =	simm.s32 $0x4;
	s0 =	sadd.s32 s9, s0;
	s9 =	ssub.s32 s21, s11  }
0x16: {  	s25 =	sadd.s32 s2, s5;
	s21 =	simm.s32 $0x32;
	[dreg:$0xd] =	wrdreg s23  }
0x17: {  	s2 =	simm.s32 $0x2;
	s11 =	simm.s32 $0x0;
	[dreg:$0xb] =	wrdreg s25  }
0x18: {  	s5 =	simm.s32 $0x3;
	s0 =	sadd.s32 $0x1B200, s0;
	[dreg:$0xf] =	wrdreg s11  }
0x19: {  	s26 =	smax.u32 s9, $0x1;
	s25 =	sshrl.u32 s10, $0x3;
	[dreg:$0xa] =	wrdreg s0  }
0x1a: {  	s9 =	simm.s32 $0x5;
	s10 =	simm.s32 $0x1068;
	[dreg:$0xc] =	wrdreg s26  }
0x1b: {  	s26 =	simm.s32 $0x4380;
	s0 =	simm.s32 $0x1;
	[dreg:$0xe] =	wrdreg s25  }
.LBB2_1:
0x1c: {  	s11 =	rddreg [dreg:$0x6]  }
0x1d: {  	[spmem:s23], [sflag:s20] =	dma.local [hbm:s11], $0x2800  }
0x1e: {  	_ =	swait.ge [sflag:s17], $0x2800  }
0x1f: {  	[sflag:s17] =	ssyncset.done $0x0  }
0x20: {  	s23 =	rddreg [dreg:$0x7];
	[sflag:s17] =	ssyncadd.s32 $0xFFFFD800  }
0x21: {  	[spmem:s25], [sflag:s20] =	dma.local [hbm:s23], $0x500  }
0x22: {  	_ =	swait.ge [sflag:s17], $0x500  }
0x23: {  	[sflag:s17] =	ssyncset.done $0x0  }
0x24: {  	s23 =	simm.s32 $0x0;
	s25 =	rddreg [dreg:$0x8];
	[sflag:s17] =	ssyncadd.s32 $0xFFFFFB00  }
0x25: {  	[tilespmem:s19], [sflag:$0x7] =	stream.linear.gather [hbm4b:s25+s23], $0x320, $0x38;
	[tilespmem:$0x1F9A0] =	vst v63  }
0x26: {  	_ =	swait.ge [sflag:s17], $0x320  }
0x27: {  	[sflag:s17] =	ssyncset.done $0x0  }
0x28: {  	[sflag:s17] =	ssyncadd.s32 $0xFFFFFCE0  }
0x29: {  	s11 =	simm.s32 $0x0;
	[bflag:$0x0] =	sbarrier.arrive $0xFFFF  }
.LBB2_2:
0x2a: {  	s20 =	smul.u32 $0x8C0, s11;
	_ =	sdelay $0x1  }
0x2b: {  	s20 =	sadd.s32 s12, s20  }
0x2c: {  	s20 =	sshrl.u32 s20, $0x3  }
0x2d: {  	s25 =	simm.s32 $0x0;
	s23 =	sadd.s32 s6, s20  }
0x2e: {  	[tilespmem:s25], [sflag:$0x7] =	stream.linear.gather [hbm4b:s23+s25], $0x8C0, $0x38;
	[tilespmem:$0x1F9A0] =	vst v63  }
0x2f: {  	_ =	swait.ge [sflag:s17], $0x8C0  }
0x30: {  	[sflag:s17] =	ssyncset.done $0x0  }
0x31: {  	s20 =	sadd.s32 s7, s20;
	s23 =	simm.s32 $0x8C0;
	[sflag:s17] =	ssyncadd.s32 $0xFFFFF740  }
0x32: {  	[tilespmem:s23], [sflag:$0x7] =	stream.linear.gather [hbm4b:s20+s25], $0x8C0, $0x38;
	[tilespmem:$0x1F9A0] =	vst v63  }
0x33: {  	_ =	swait.ge [sflag:s17], $0x8C0  }
0x34: {  	[sflag:s17] =	ssyncset.done $0x0  }
0x35: {  	[sflag:s17] =	ssyncadd.s32 $0xFFFFF740  }
0x36: {  	[tilespmem:s22], [sflag:$0x1] =	stream.indirect.gather [hbm4b:s1+s21], $0x80, s25, s21, $0xb8;
	[tilespmem:$0x1F9A0] =	vst v63  }
0x37: {  	s25 =	simm.s32 $0x38  }
0x38: {  	[tilespmem:s24], [sflag:$0x2] =	stream.indirect.gather [hbm4b:s1+s21], $0x80, s25, s21, $0xb8;
	[tilespmem:$0x1F9A0] =	vst v63  }
0x39: {  	s23 =	simm.s32 $0x70  }
0x3a: {  	[tilespmem:s26], [sflag:$0x3] =	stream.indirect.gather [hbm4b:s1+s21], $0x80, s23, s21, $0xb8;
	[tilespmem:$0x1F9A0] =	vst v63  }
0x3b: {  	_ = 	snop  }
0x3c: {  	[tilespmem:s29], [sflag:$0x4] =	stream.indirect.gather [hbm4b:s1+s21], $0x80, s28, s21, $0xb8;
	[tilespmem:$0x1F9A0] =	vst v63  }
0x3d: {  	_ = 	snop  }
0x3e: {  	[tilespmem:s31], [sflag:$0x5] =	stream.indirect.gather [hbm4b:s1+s21], $0x80, s30, s21, $0xb8;
	[tilespmem:$0x1F9A0] =	vst v63  }
0x3f: {  	_ =	swait.ge [sflag:s0], $0x1900  }
0x40: {  	[sflag:s0] =	ssyncset.done $0x0  }
0x41: {  	s25 =	simm.s32 $0x8C0;
	[sflag:s0] =	ssyncadd.s32 $0xFFFFE700  }
0x42: {  	[spmem:s3] =	stream.indirect.scatter.add.f32 [tilespmem:s22], [sflag:$0x7], $0x80, s25, s21, $0xb8;
	[tilespmem:$0x1F9A0] =	vst v63  }
0x43: {  	_ =	swait.ge [sflag:s17], $0x1900  }
0x44: {  	[sflag:s17] =	ssyncset.done $0x0  }
0x45: {  	[sflag:s17] =	ssyncadd.s32 $0xFFFFE700  }
0x46: {  	[spmem:s4] =	stream.indirect.scatter.add.f32 [tilespmem:s19], [sflag:$0x6], $0x10, s25, s21, $0xb8;
	[tilespmem:$0x1F9A0] =	vst v63  }
0x47: {  	s23 =	simm.s32 $0x118  }
0x48: {  	[tilespmem:s22], [sflag:$0x1] =	stream.indirect.gather [hbm4b:s1+s21], $0x80, s23, s21, $0xb8;
	[tilespmem:$0x1F9A0] =	vst v63  }
0x49: {  	_ =	swait.ge [sflag:s2], $0x1900  }
0x4a: {  	[sflag:s2] =	ssyncset.done $0x0  }
0x4b: {  	s25 =	simm.s32 $0x8F8;
	[sflag:s2] =	ssyncadd.s32 $0xFFFFE700  }
0x4c: {  	[spmem:s3] =	stream.indirect.scatter.add.f32 [tilespmem:s24], [sflag:$0x7], $0x80, s25, s21, $0xb8;
	[tilespmem:$0x1F9A0] =	vst v63  }
0x4d: {  	_ =	swait.ge [sflag:s17], $0x1900  }
0x4e: {  	[sflag:s17] =	ssyncset.done $0x0  }
0x4f: {  	[sflag:s17] =	ssyncadd.s32 $0xFFFFE700  }
0x50: {  	[spmem:s4] =	stream.indirect.scatter.add.f32 [tilespmem:s19], [sflag:$0x6], $0x10, s25, s21, $0xb8;
	[tilespmem:$0x1F9A0] =	vst v63  }
0x51: {  	s23 =	simm.s32 $0x150  }
0x52: {  	[tilespmem:s24], [sflag:$0x2] =	stream.indirect.gather [hbm4b:s1+s21], $0x80, s23, s21, $0xb8;
	[tilespmem:$0x1F9A0] =	vst v63  }
0x53: {  	_ =	swait.ge [sflag:s5], $0x1900  }
0x54: {  	[sflag:s5] =	ssyncset.done $0x0  }
0x55: {  	s25 =	simm.s32 $0x930;
	[sflag:s5] =	ssyncadd.s32 $0xFFFFE700  }
0x56: {  	[spmem:s3] =	stream.indirect.scatter.add.f32 [tilespmem:s26], [sflag:$0x7], $0x80, s25, s21, $0xb8;
	[tilespmem:$0x1F9A0] =	vst v63  }
0x57: {  	_ =	swait.ge [sflag:s17], $0x1900  }
0x58: {  	[sflag:s17] =	ssyncset.done $0x0  }
0x59: {  	[sflag:s17] =	ssyncadd.s32 $0xFFFFE700  }
0x5a: {  	[spmem:s4] =	stream.indirect.scatter.add.f32 [tilespmem:s19], [sflag:$0x6], $0x10, s25, s21, $0xb8;
	[tilespmem:$0x1F9A0] =	vst v63  }
0x5b: {  	s23 =	simm.s32 $0x188  }
0x5c: {  	[tilespmem:s26], [sflag:$0x3] =	stream.indirect.gather [hbm4b:s1+s21], $0x80, s23, s21, $0xb8;
	[tilespmem:$0x1F9A0] =	vst v63  }
0x5d: {  	_ =	swait.ge [sflag:s8], $0x1900  }
0x5e: {  	[sflag:s8] =	ssyncset.done $0x0  }
0x5f: {  	s25 =	simm.s32 $0x968;
	[sflag:s8] =	ssyncadd.s32 $0xFFFFE700  }
0x60: {  	[spmem:s3] =	stream.indirect.scatter.add.f32 [tilespmem:s29], [sflag:$0x7], $0x80, s25, s21, $0xb8;
	[tilespmem:$0x1F9A0] =	vst v63  }
0x61: {  	_ =	swait.ge [sflag:s17], $0x1900  }
0x62: {  	[sflag:s17] =	ssyncset.done $0x0  }
0x63: {  	[sflag:s17] =	ssyncadd.s32 $0xFFFFE700  }
0x64: {  	[spmem:s4] =	stream.indirect.scatter.add.f32 [tilespmem:s19], [sflag:$0x6], $0x10, s25, s21, $0xb8;
	[tilespmem:$0x1F9A0] =	vst v63  }
0x65: {  	s23 =	simm.s32 $0x1C0  }
0x66: {  	[tilespmem:s29], [sflag:$0x4] =	stream.indirect.gather [hbm4b:s1+s21], $0x80, s23, s21, $0xb8;
	[tilespmem:$0x1F9A0] =	vst v63  }
0x67: {  	_ =	swait.ge [sflag:s9], $0x1900  }
0x68: {  	[sflag:s9] =	ssyncset.done $0x0  }
0x69: {  	s25 =	simm.s32 $0x9A0;
	[sflag:s9] =	ssyncadd.s32 $0xFFFFE700  }
0x6a: {  	[spmem:s3] =	stream.indirect.scatter.add.f32 [tilespmem:s31], [sflag:$0x7], $0x80, s25, s21, $0xb8;
	[tilespmem:$0x1F9A0] =	vst v63  }
0x6b: {  	_ =	swait.ge [sflag:s17], $0x1900  }
0x6c: {  	[sflag:s17] =	ssyncset.done $0x0  }
0x6d: {  	s20 =	simm.s32 $0x460;
	s23 =	simm.s32 $0x1F8;
	[sflag:s17] =	ssyncadd.s32 $0xFFFFE700  }
0x6e: {  	[spmem:s4] =	stream.indirect.scatter.add.f32 [tilespmem:s19], [sflag:$0x6], $0x10, s25, s21, $0xb8;
	[tilespmem:$0x1F9A0] =	vst v63  }
.LBB2_3:
0x6f: {  	[tilespmem:s31], [sflag:$0x5] =	stream.indirect.gather [hbm4b:s1+s21], $0x80, s23, s21, $0xb8;
	[tilespmem:$0x1F9A0] =	vst v63  }
0x70: {  	s23 =	smov.u32 s20  }
0x71: {  	p0 =	sne.s32 s20, $0x1A40;
	s20 =	sadd.s32 $0x460, s20;
	_ =	swait.ge [sflag:s0], $0x1900  }
0x72: {  	s23 =	sshra.s32 s23, $0x2;
	[sflag:s0] =	ssyncset.done $0x0  }
0x73: {  	s25 =	sadd.s32 $0x8C0, s23;
	[sflag:s0] =	ssyncadd.s32 $0xFFFFE700  }
0x74: {  	[spmem:s3] =	stream.indirect.scatter.add.f32 [tilespmem:s22], [sflag:$0x7], $0x80, s25, s21, $0xb8;
	[tilespmem:$0x1F9A0] =	vst v63  }
0x75: {  	_ =	swait.ge [sflag:s17], $0x1900  }
0x76: {  	[sflag:s17] =	ssyncset.done $0x0  }
0x77: {  	[sflag:s17] =	ssyncadd.s32 $0xFFFFE700  }
0x78: {  	[spmem:s4] =	stream.indirect.scatter.add.f32 [tilespmem:s19], [sflag:$0x6], $0x10, s25, s21, $0xb8;
	[tilespmem:$0x1F9A0] =	vst v63  }
0x79: {  	s25 =	sadd.s32 $0x118, s23  }
0x7a: {  	[tilespmem:s22], [sflag:$0x1] =	stream.indirect.gather [hbm4b:s1+s21], $0x80, s25, s21, $0xb8;
	[tilespmem:$0x1F9A0] =	vst v63  }
0x7b: {  	_ =	swait.ge [sflag:s2], $0x1900  }
0x7c: {  	[sflag:s2] =	ssyncset.done $0x0  }
0x7d: {  	s25 =	sadd.s32 $0x8F8, s23;
	[sflag:s2] =	ssyncadd.s32 $0xFFFFE700  }
0x7e: {  	[spmem:s3] =	stream.indirect.scatter.add.f32 [tilespmem:s24], [sflag:$0x7], $0x80, s25, s21, $0xb8;
	[tilespmem:$0x1F9A0] =	vst v63  }
0x7f: {  	_ =	swait.ge [sflag:s17], $0x1900  }
0x80: {  	[sflag:s17] =	ssyncset.done $0x0  }
0x81: {  	[sflag:s17] =	ssyncadd.s32 $0xFFFFE700  }
0x82: {  	[spmem:s4] =	stream.indirect.scatter.add.f32 [tilespmem:s19], [sflag:$0x6], $0x10, s25, s21, $0xb8;
	[tilespmem:$0x1F9A0] =	vst v63  }
0x83: {  	s25 =	sadd.s32 $0x150, s23  }
0x84: {  	[tilespmem:s24], [sflag:$0x2] =	stream.indirect.gather [hbm4b:s1+s21], $0x80, s25, s21, $0xb8;
	[tilespmem:$0x1F9A0] =	vst v63  }
0x85: {  	_ =	swait.ge [sflag:s5], $0x1900  }
0x86: {  	[sflag:s5] =	ssyncset.done $0x0  }
0x87: {  	s25 =	sadd.s32 $0x930, s23;
	[sflag:s5] =	ssyncadd.s32 $0xFFFFE700  }
0x88: {  	[spmem:s3] =	stream.indirect.scatter.add.f32 [tilespmem:s26], [sflag:$0x7], $0x80, s25, s21, $0xb8;
	[tilespmem:$0x1F9A0] =	vst v63  }
0x89: {  	_ =	swait.ge [sflag:s17], $0x1900  }
0x8a: {  	[sflag:s17] =	ssyncset.done $0x0  }
0x8b: {  	[sflag:s17] =	ssyncadd.s32 $0xFFFFE700  }
0x8c: {  	[spmem:s4] =	stream.indirect.scatter.add.f32 [tilespmem:s19], [sflag:$0x6], $0x10, s25, s21, $0xb8;
	[tilespmem:$0x1F9A0] =	vst v63  }
0x8d: {  	s25 =	sadd.s32 $0x188, s23  }
0x8e: {  	[tilespmem:s26], [sflag:$0x3] =	stream.indirect.gather [hbm4b:s1+s21], $0x80, s25, s21, $0xb8;
	[tilespmem:$0x1F9A0] =	vst v63  }
0x8f: {  	_ =	swait.ge [sflag:s8], $0x1900  }
0x90: {  	[sflag:s8] =	ssyncset.done $0x0  }
0x91: {  	s25 =	sadd.s32 $0x968, s23;
	[sflag:s8] =	ssyncadd.s32 $0xFFFFE700  }
0x92: {  	[spmem:s3] =	stream.indirect.scatter.add.f32 [tilespmem:s29], [sflag:$0x7], $0x80, s25, s21, $0xb8;
	[tilespmem:$0x1F9A0] =	vst v63  }
0x93: {  	_ =	swait.ge [sflag:s17], $0x1900  }
0x94: {  	[sflag:s17] =	ssyncset.done $0x0  }
0x95: {  	[sflag:s17] =	ssyncadd.s32 $0xFFFFE700  }
0x96: {  	[spmem:s4] =	stream.indirect.scatter.add.f32 [tilespmem:s19], [sflag:$0x6], $0x10, s25, s21, $0xb8;
	[tilespmem:$0x1F9A0] =	vst v63  }
0x97: {  	s25 =	sadd.s32 $0x1C0, s23  }
0x98: {  	[tilespmem:s29], [sflag:$0x4] =	stream.indirect.gather [hbm4b:s1+s21], $0x80, s25, s21, $0xb8;
	[tilespmem:$0x1F9A0] =	vst v63  }
0x99: {  	_ =	swait.ge [sflag:s9], $0x1900  }
0x9a: {  	[sflag:s9] =	ssyncset.done $0x0  }
0x9b: {  	s25 =	sadd.s32 $0x9A0, s23;
	[sflag:s9] =	ssyncadd.s32 $0xFFFFE700  }
0x9c: {  	[spmem:s3] =	stream.indirect.scatter.add.f32 [tilespmem:s31], [sflag:$0x7], $0x80, s25, s21, $0xb8;
	[tilespmem:$0x1F9A0] =	vst v63  }
.Ltmp0:
0x9d: {  	_ =	swait.ge [sflag:s17], $0x1900;
	(pc) =	sbr.rel @p0 .LBB2_3-.Ltmp0, $4  }
0x9e: {  	[sflag:s17] =	ssyncset.done $0x0  }
0x9f: {  	[sflag:s17] =	ssyncadd.s32 $0xFFFFE700  }
0xa0: {  	[spmem:s4] =	stream.indirect.scatter.add.f32 [tilespmem:s19], [sflag:$0x6], $0x10, s25, s21, $0xb8;
	[tilespmem:$0x1F9A0] =	vst v63  }
0xa1: {  	s23 =	sadd.s32 $0x1F8, s23  }
0xa2: {  	[tilespmem:s31], [sflag:$0x5] =	stream.indirect.gather [hbm4b:s1+s21], $0x80, s23, s21, $0xb8;
	[tilespmem:$0x1F9A0] =	vst v63  }
0xa3: {  	_ =	swait.ge [sflag:s0], $0x1900  }
0xa4: {  	[sflag:s0] =	ssyncset.done $0x0  }
0xa5: {  	[sflag:s0] =	ssyncadd.s32 $0xFFFFE700  }
0xa6: {  	[spmem:s3] =	stream.indirect.scatter.add.f32 [tilespmem:s22], [sflag:$0x7], $0x80, s10, s21, $0xb8;
	[tilespmem:$0x1F9A0] =	vst v63  }
0xa7: {  	_ =	swait.ge [sflag:s17], $0x1900  }
0xa8: {  	[sflag:s17] =	ssyncset.done $0x0  }
0xa9: {  	[sflag:s17] =	ssyncadd.s32 $0xFFFFE700  }
0xaa: {  	[spmem:s4] =	stream.indirect.scatter.add.f32 [tilespmem:s19], [sflag:$0x6], $0x10, s10, s21, $0xb8;
	[tilespmem:$0x1F9A0] =	vst v63  }
0xab: {  	_ =	swait.ge [sflag:s2], $0x1900  }
0xac: {  	[sflag:s2] =	ssyncset.done $0x0  }
0xad: {  	[sflag:s2] =	ssyncadd.s32 $0xFFFFE700  }
0xae: {  	[spmem:s3] =	stream.indirect.scatter.add.f32 [tilespmem:s24], [sflag:$0x7], $0x80, s13, s21, $0xb8;
	[tilespmem:$0x1F9A0] =	vst v63  }
0xaf: {  	_ =	swait.ge [sflag:s17], $0x1900  }
0xb0: {  	[sflag:s17] =	ssyncset.done $0x0  }
0xb1: {  	[sflag:s17] =	ssyncadd.s32 $0xFFFFE700  }
0xb2: {  	[spmem:s4] =	stream.indirect.scatter.add.f32 [tilespmem:s19], [sflag:$0x6], $0x10, s13, s21, $0xb8;
	[tilespmem:$0x1F9A0] =	vst v63  }
0xb3: {  	_ =	swait.ge [sflag:s5], $0x1900  }
0xb4: {  	[sflag:s5] =	ssyncset.done $0x0  }
0xb5: {  	[sflag:s5] =	ssyncadd.s32 $0xFFFFE700  }
0xb6: {  	[spmem:s3] =	stream.indirect.scatter.add.f32 [tilespmem:s26], [sflag:$0x7], $0x80, s14, s21, $0xb8;
	[tilespmem:$0x1F9A0] =	vst v63  }
0xb7: {  	_ =	swait.ge [sflag:s17], $0x1900  }
0xb8: {  	[sflag:s17] =	ssyncset.done $0x0  }
0xb9: {  	[sflag:s17] =	ssyncadd.s32 $0xFFFFE700  }
0xba: {  	[spmem:s4] =	stream.indirect.scatter.add.f32 [tilespmem:s19], [sflag:$0x6], $0x10, s14, s21, $0xb8;
	[tilespmem:$0x1F9A0] =	vst v63  }
0xbb: {  	_ =	swait.ge [sflag:s8], $0x1900  }
0xbc: {  	[sflag:s8] =	ssyncset.done $0x0  }
0xbd: {  	[sflag:s8] =	ssyncadd.s32 $0xFFFFE700  }
0xbe: {  	[spmem:s3] =	stream.indirect.scatter.add.f32 [tilespmem:s29], [sflag:$0x7], $0x80, s15, s21, $0xb8;
	[tilespmem:$0x1F9A0] =	vst v63  }
0xbf: {  	_ =	swait.ge [sflag:s17], $0x1900  }
0xc0: {  	[sflag:s17] =	ssyncset.done $0x0  }
0xc1: {  	[sflag:s17] =	ssyncadd.s32 $0xFFFFE700  }
0xc2: {  	[spmem:s4] =	stream.indirect.scatter.add.f32 [tilespmem:s19], [sflag:$0x6], $0x10, s15, s21, $0xb8;
	[tilespmem:$0x1F9A0] =	vst v63  }
0xc3: {  	_ =	swait.ge [sflag:s9], $0x1900  }
0xc4: {  	[sflag:s9] =	ssyncset.done $0x0  }
0xc5: {  	[sflag:s9] =	ssyncadd.s32 $0xFFFFE700  }
0xc6: {  	[spmem:s3] =	stream.indirect.scatter.add.f32 [tilespmem:s31], [sflag:$0x7], $0x80, s16, s21, $0xb8;
	[tilespmem:$0x1F9A0] =	vst v63  }
0xc7: {  	_ =	swait.ge [sflag:s17], $0x1900  }
0xc8: {  	[sflag:s17] =	ssyncset.done $0x0  }
0xc9: {  	[sflag:s17] =	ssyncadd.s32 $0xFFFFE700  }
0xca: {  	[spmem:s4] =	stream.indirect.scatter.add.f32 [tilespmem:s19], [sflag:$0x6], $0x10, s16, s21, $0xb8;
	[tilespmem:$0x1F9A0] =	vst v63  }
0xcb: {  	_ =	swait.ge [sflag:s18], $0x320  }
0xcc: {  	s20 =	simm.s32 $0x27;
	[sflag:s18] =	ssyncset.done $0x0  }
.LBB2_5:
0xcd: {  	p0 =	sne.s32 s20, $0x1;
	s20 =	sadd.s32 $0xFFFFFFFF, s20;
	[sflag:s18] =	ssyncadd.s32 $0xFFFFFCE0  }
.Ltmp1:
0xce: {  	(pc) =	sbr.rel @p0 .LBB2_5-.Ltmp1, $3  }
0xcf: {  	_ =	sdelay $0x1  }
0xd0: {  	_ =	swait.ge [sflag:s18], $0x320  }
0xd1: {  	[sflag:s18] =	ssyncset.done $0x0  }
0xd2: {  	s11 =	sadd.s32 $0x1, s11  }
0xd3: {  	p0 =	sne.s32 s11, $0x5  }
.Ltmp2:
0xd4: {  	_ = 	snop;
	(pc) =	sbr.rel @p0 .LBB2_2-.Ltmp2, $2  }
0xd5: {  	_ =	sdelay $0x2  }
0xd6: {  	[sflag:s18] =	ssyncadd.s32 $0xFFFFFCE0  }
0xd7: {  	[bflag:$0x0] =	sbarrier.arrive $0xFFFF  }
0xd8: {  	s20 =	rddreg [dreg:$0x9]  }
0xd9: {  	s11 =	rddreg [dreg:$0xa]  }
0xda: {  	s23 =	rddreg [dreg:$0xd]  }
0xdb: {  	[hbm:s11], [sflag:s20] =	dma.local [spmem:s23], $0x2800  }
0xdc: {  	_ =	swait.ge [sflag:s17], $0x2800  }
0xdd: {  	[sflag:s17] =	ssyncset.done $0x0;
	s11 =	rddreg [dreg:$0xb]  }
0xde: {  	s25 =	rddreg [dreg:$0xe];
	[sflag:s17] =	ssyncadd.s32 $0xFFFFD800  }
0xdf: {  	[hbm:s11], [sflag:s20] =	dma.local [spmem:s25], $0x500  }
0xe0: {  	_ =	swait.ge [sflag:s17], $0x500  }
0xe1: {  	s28 =	rddreg [dreg:$0xf]  }
0xe2: {  	s11 =	rddreg [dreg:$0xc];
	s28 =	sadd.s32 $0x1, s28  }
0xe3: {  	p0 =	sne.s32 s28, s11  }
.Ltmp3:
0xe4: {  	_ = 	snop;
	(pc) =	sbr.rel @p0 .LBB2_1-.Ltmp3, $3  }
0xe5: {  	_ =	sdelay $0x1  }
0xe6: {  	[sflag:s17] =	ssyncset.done $0x0  }
0xe7: {  	[sflag:s17] =	ssyncadd.s32 $0xFFFFFB00;
	[dreg:$0xf] =	wrdreg s28;
	s28 =	simm.s32 $0xA8  }
0xe8: {  	_ =	sfence.sel $0x180000  }
0xe9: {  	[bflag:$0x0] =	sbarrier.arrive $0xFFFF  }
0xea: {  	_ =	strace $0x90000047  }
0xeb: {  	s0 =	stileid.u32;
	[bflag:$0x2] =	sbarrier.arrive $0xFFFF  }
0xec: {  	p0 =	sne.s32 s0, $0x0;
	s0 =	rddreg [dreg:$0x5]  }
0xed: {  	s0 =	sadd.s32 @!p0 $0x100000, s0  }
0xee: {  	[sflag:s0] =	ssyncadd.tile.s32 @!p0 $0x1;
	_ =	shalt  }
.Lfunc_end2:
_tile_overlayer_lowered:
.L_overlay_start_2:
0xef: {  	(tag) =	ssettag $0x2  }
0xf0: {  	s0 =	rddreg [dreg:$0x0];
	s2 =	stileid.u32  }
0xf1: {  	s1 =	rddreg [dreg:$0x1];
	p0 =	sne.s32 s2, $0x0  }
0xf2: {  	s3 =	rddreg [dreg:$0x2];
	[bflag:$0x3] =	sbarrier.arrive $0xFFFF;
	s2 =	simm.s32 @!p0 $0x1C07  }
0xf3: {  	[timem:s3], [sflag:s2] =	dma.local @!p0 [hbm:s0], s1  }
0xf4: {  	s0 =	simm.s32 @!p0 $0x7  }
0xf5: {  	_ =	swait.ge @!p0 [sflag:s0], s1  }
0xf6: {  	s1 =	ssub.s32 @!p0 $0x0, s1;
	[sflag:s0] =	ssyncset.done @!p0 $0x0  }
0xf7: {  	[sflag:s0] =	ssyncadd.s32 @!p0 s1  }
0xf8: {  	[bflag:$0x3] =	sbarrier.arrive $0xFFFF  }
0xf9: {  	_ =	shalt  }

// kernel: kernel.9.cloned.1.call-start
scs
__scs_entry_jumppad:
0x0: {  	(pc) =	sbr.rel $0x88, $3  }
0x1: {  	(tag) =	ssettag $0x0;
	lr =	simm.s32 $0x1  }
0x2: {  	[smem:$0x3F9B] =	sst lr;
	_ =	strace $0xD0000000  }
0x3: {  	_ = 	snop  }
0x4: {  	_ = 	snop  }
0x5: {  	_ = 	snop  }
0x6: {  	_ = 	snop  }
0x7: {  	_ = 	snop  }
__scs_overlays_trampoline_lowered:
0x8: {  	[smem:$0x3FAA] =	sst s0  }
0x9: {  	[smem:$0x3FAB] =	sst s1  }
0xa: {  	[smem:$0x3FAC] =	sst s2  }
0xb: {  	[smem:$0x3FAD] =	sst s3  }
0xc: {  	[smem:$0x3FAE] =	sst s4  }
0xd: {  	[smem:$0x3FAF] =	sst s5  }
0xe: {  	[smem:$0x3FB0] =	sst s6  }
0xf: {  	[smem:$0x3FB1] =	sst s7  }
0x10: {  	[smem:$0x3FB2] =	sst s8  }
0x11: {  	[smem:$0x3FB3] =	sst s9;
	s0 =	simm.s32 @!p0 $0x0  }
0x12: {  	s1 =	sld [smem:$0x3F99];
	s0 =	simm.s32 @p0 $0x1  }
0x13: {  	[smem:$0x3FB4] =	sst s0;
	s0 =	simm.s32 @!p1 $0x0  }
0x14: {  	s2 =	sld [smem:$0x3F98];
	s0 =	simm.s32 @p1 $0x1  }
0x15: {  	[smem:$0x3FB5] =	sst s0;
	s0 =	simm.s32 @!p2 $0x0  }
0x16: {  	s3 =	sld [smem:$0x3FDB];
	s0 =	simm.s32 @p2 $0x1  }
0x17: {  	s4 =	simm.s32 $0x1BF5;
	[smem:$0x3FB7] =	sst s0  }
0x18: {  	s0 =	sld [smem:$0x3F9A];
	_ =	swait.ge [sflag:s4], $0x0  }
0x19: {  	s7 =	sld [smem:$0x3F9B]  }
0x1a: {  	s8 =	sadd.s32 $0xFFFFE003, lr  }
0x1b: {  	s9 =	sadd.s32 $0xFFFFFEF7, lr;
	s5 =	simm.s32 $0xFFFFFFFF;
	p2 =	slt.u32 s8, $0xFFFFF086  }
0x1c: {  	p1 =	slt.u32 s9, $0xF7A;
	s5 =	simm.s32 @!p2 $0x0  }
0x1d: {  	s5 =	simm.s32 @p1 $0x1;
	p0 =	seq.s32 s7, s2  }
0x1e: {  	s7 =	smul.u32 @!p0 $0xF7A, s2;
	p2 =	seq.s32 @!p0 s5, $0x0  }
0x1f: {  	s9 =	smul.u32 $0xF7A, s1;
	s8 =	simm.s32 @!p0 $0x1BF5;
	p2 =	por !p2, p0  }
0x20: {  	[sflag:s8] =	ssyncset.s32 @!p0 $0xFFFFF086;
	s6 =	sadd.s32 @!p0 s3, s7;
	s7 =	simm.s32 @!p0 $0x108  }
0x21: {  	s3 =	sadd.s32 s3, s9;
	s6 =	sadd.s32 @!p0 $0x88, s6;
	s7 =	simm.s32 @p2 $0x1082  }
0x22: {  	[simem:s7], [sflag:s8] =	dma.local @!p0 [hbm:s6], $0xF7A  }
0x23: {  	s9 =	sor.u32 $0xD0000000, s2;
	s6 =	simm.s32 $0x108;
	_ =	swait.ge @!p0 [sflag:s8], $0x0  }
0x24: {  	s3 =	sadd.s32 $0x88, s3;
	s6 =	simm.s32 @!p1 $0x1082;
	[sflag:s4] =	ssyncset.s32 $0xFFFFF086  }
0x25: {  	[simem:s6], [sflag:s4] =	dma.local [hbm:s3], $0xF7A  }
0x26: {  	[smem:$0x3F9B] =	sst s1;
	(tag) =	ssettag s2;
	_ =	strace s9  }
0x27: {  	s1 =	sld [smem:$0x3FAB]  }
0x28: {  	s2 =	sld [smem:$0x3FAC]  }
0x29: {  	s4 =	sld [smem:$0x3FAE]  }
0x2a: {  	p0 =	seq.s32 s5, $0x0;
	s5 =	sld [smem:$0x3FAF]  }
0x2b: {  	s6 =	sld [smem:$0x3FB0]  }
0x2c: {  	s7 =	sld [smem:$0x3FB1]  }
0x2d: {  	s3 =	simm.s32 $0x108;
	s8 =	sld [smem:$0x3FB2]  }
0x2e: {  	s3 =	simm.s32 @!p0 $0x1082;
	s9 =	sld [smem:$0x3FB3]  }
0x2f: {  	lr =	sadd.s32 s0, s3;
	s0 =	sld [smem:$0x3FAA]  }
0x30: {  	s3 =	sld [smem:$0x3FAD]  }
0x31: {  	[smem:$0x3FB6] =	sst s10  }
0x32: {  	s10 =	sld [smem:$0x3FB4];
	_ =	sdelay $0x3  }
0x33: {  	p0 =	seq.s32 s10, $0x1;
	s10 =	sld [smem:$0x3FB6];
	_ =	sdelay $0x3  }
0x34: {  	[smem:$0x3FB6] =	sst s10  }
0x35: {  	s10 =	sld [smem:$0x3FB5];
	_ =	sdelay $0x3  }
0x36: {  	p1 =	seq.s32 s10, $0x1;
	s10 =	sld [smem:$0x3FB6];
	_ =	sdelay $0x3  }
0x37: {  	[smem:$0x3FB6] =	sst s10  }
0x38: {  	s10 =	sld [smem:$0x3FB7]  }
0x39: {  	_ = 	snop;
	(pc) =	sbr.ind lr, $3  }
0x3a: {  	_ = 	snop  }
0x3b: {  	_ = 	snop  }
0x3c: {  	p2 =	seq.s32 s10, $0x1;
	s10 =	sld [smem:$0x3FB6]  }
0x3d: {  	_ =	shalt  }
0x3e: {  	_ =	shalt  }
0x3f: {  	_ =	shalt  }
0x40: {  	_ =	shalt  }
0x41: {  	_ =	shalt  }
0x42: {  	_ =	shalt  }
0x43: {  	_ =	shalt  }
0x44: {  	_ =	shalt  }
0x45: {  	_ =	shalt  }
0x46: {  	_ =	shalt  }
0x47: {  	_ =	shalt  }
0x48: {  	_ =	shalt  }
0x49: {  	_ =	shalt  }
0x4a: {  	_ =	shalt  }
0x4b: {  	_ =	shalt  }
0x4c: {  	_ =	shalt  }
0x4d: {  	_ =	shalt  }
0x4e: {  	_ =	shalt  }
0x4f: {  	_ =	shalt  }
0x50: {  	_ =	shalt  }
0x51: {  	_ =	shalt  }
0x52: {  	_ =	shalt  }
0x53: {  	_ =	shalt  }
0x54: {  	_ =	shalt  }
0x55: {  	_ =	shalt  }
0x56: {  	_ =	shalt  }
0x57: {  	_ =	shalt  }
0x58: {  	_ =	shalt  }
0x59: {  	_ =	shalt  }
0x5a: {  	_ =	shalt  }
0x5b: {  	_ =	shalt  }
0x5c: {  	_ =	shalt  }
0x5d: {  	_ =	shalt  }
0x5e: {  	_ =	shalt  }
0x5f: {  	_ =	shalt  }
0x60: {  	_ =	shalt  }
0x61: {  	_ =	shalt  }
0x62: {  	_ =	shalt  }
0x63: {  	_ =	shalt  }
0x64: {  	_ =	shalt  }
0x65: {  	_ =	shalt  }
0x66: {  	_ =	shalt  }
0x67: {  	_ =	shalt  }
0x68: {  	_ =	shalt  }
0x69: {  	_ =	shalt  }
0x6a: {  	_ =	shalt  }
0x6b: {  	_ =	shalt  }
0x6c: {  	_ =	shalt  }
0x6d: {  	_ =	shalt  }
0x6e: {  	_ =	shalt  }
0x6f: {  	_ =	shalt  }
0x70: {  	_ =	shalt  }
0x71: {  	_ =	shalt  }
0x72: {  	_ =	shalt  }
0x73: {  	_ =	shalt  }
0x74: {  	_ =	shalt  }
0x75: {  	_ =	shalt  }
0x76: {  	_ =	shalt  }
0x77: {  	_ =	shalt  }
0x78: {  	_ =	shalt  }
0x79: {  	_ =	shalt  }
0x7a: {  	_ =	shalt  }
0x7b: {  	_ =	shalt  }
0x7c: {  	_ =	shalt  }
0x7d: {  	_ =	shalt  }
0x7e: {  	_ =	shalt  }
0x7f: {  	_ =	shalt  }
0x80: {  	_ =	shalt  }
0x81: {  	_ =	shalt  }
0x82: {  	_ =	shalt  }
0x83: {  	_ =	shalt  }
0x84: {  	_ =	shalt  }
0x85: {  	_ =	shalt  }
0x86: {  	_ =	shalt  }
0x87: {  	_ =	shalt  }
.Lfunc_end0:
.L_simem_size_0:
called_computation.1_lowered:
.L_overlay_start_0:
0x88: {  	s2 =	sld [smem:$0x3FD9]  }
0x89: {  	s3 =	sld [smem:$0x3FFE];
	_ =	sdelay $0x1  }
0x8a: {  	s1 =	srdreg.scid  }
0x8b: {  	s0 =	sand.u32 $0x1, s1  }
0x8c: {  	s17 =	sshll.u32 s0, $0xA;
	s2 =	sadd.s32 s3, s2  }
0x8d: {  	s2 =	sadd.s32 s2, s17  }
0x8e: {  	[smem:$0x3FC2] =	sst s2  }
0x8f: {  	_ = 	snop  }
0x90: {  	s2 =	sld [smem:$0x3FD0];
	(tm) =	ssettm $0x1  }
0x91: {  	s18 =	sld [smem:$0x3FFB];
	_ =	sdelay $0x3  }
0x92: {  	_ =	strace s18  }
0x93: {  	s3 =	sld [smem:$0x3FFC];
	_ =	sdelay $0x3  }
0x94: {  	_ =	strace s3  }
0x95: {  	s3 =	sld [smem:$0x3FFD];
	_ =	sdelay $0x3  }
0x96: {  	_ =	strace s3  }
0x97: {  	_ =	strace $0x8FFFFFFF  }
0x98: {  	s19 =	sld [smem:$0x3FDB];
	_ =	sdelay $0x1  }
0x99: {  	s4 =	simm.s32 $_scs_section_size  }
0x9a: {  	s5 =	simm.s32 $_size__tile_overlayer_lowered;
	s6 =	simm.s32 $_tile_overlayer_lowered  }
0x9b: {  	s22 =	simm.s32 $0x1BFF;
	s21 =	sshll.u32 s6, $0x1;
	s3 =	sadd.s32 s4, s19  }
0x9c: {  	s7 =	simm.s32 $0x0;
	s20 =	sshll.u32 s5, $0x1;
	s5 =	sadd.s32 s21, s3  }
0x9d: {  	[timem:s7], [sflag:s22] =	dma.local [hbm:s5], s20  }
0x9e: {  	_ =	swait.ge [sflag:s22], s20  }
0x9f: {  	s4 =	ssub.s32 $0x0, s20;
	[sflag:s22] =	ssyncset.done $0x0  }
0xa0: {  	[sflag:s22] =	ssyncadd.s32 s4;
	_ =	sdelay $0x1  }
0xa1: {  	s23 =	simm.s32 $0x1B8B  }
0xa2: {  	_ =	swait.ge [sflag:s23], $0x1  }
0xa3: {  	[sflag:s23] =	ssyncset.done $0x0  }
0xa4: {  	s25 =	simm.s32 $0x1B8E;
	s24 =	sld [smem:$0x3FFE];
	[sflag:s23] =	ssyncadd.s32 $0xFFFFFFFF  }
0xa5: {  	s26 =	simm.s32 $execute0_lowered;
	[smem:$0x3FD2] =	sst s25  }
0xa6: {  	s5 =	sshll.u32 s26, $0x1;
	_ =	strace $0x80000049;
	[dreg:$0x1] =	wrdreg $0xFFFFFFFF  }
0xa7: {  	s28 =	simm.s32 $_size_execute0_lowered;
	s3 =	sadd.s32 s3, s5;
	[dreg:$0x0] =	wrdreg $0x0  }
0xa8: {  	s5 =	sshll.u32 s28, $0x1;
	[dreg:$0x2] =	wrdreg s3  }
0xa9: {  	[dreg:$0x3] =	wrdreg s5  }
0xaa: {  	[dreg:$0x4] =	wrdreg $0xC0  }
0xab: {  	_ =	task [dreg:s7], $0x5FFFF  }
0xac: {  	[dreg:$0x1] =	wrdreg $0xFFFFFFFF  }
0xad: {  	[dreg:$0x0] =	wrdreg $0x60  }
0xae: {  	[dreg:$0x2] =	wrdreg s2  }
0xaf: {  	[dreg:$0x3] =	wrdreg s24  }
0xb0: {  	[dreg:$0x4] =	wrdreg $0x8E800  }
0xb1: {  	[dreg:$0x5] =	wrdreg $0x9  }
0xb2: {  	_ =	task.clear_ibuf [dreg:s7], $0x6FFFF;
	_ =	strace $0x90000049  }
0xb3: {  	s29 =	simm.s32 $0x9;
	_ =	strace $0x8000004B  }
0xb4: {  	_ =	swait.ge [sflag:s29], $0x1  }
0xb5: {  	[sflag:s29] =	ssyncadd.s32 $0xFFFFFFFF  }
0xb6: {  	_ =	strace $0x9000004B  }
0xb7: {  	_ =	sfence  }
0xb8: {  	s30 =	sld [smem:$0x0];
	_ =	sdelay $0x2  }
0xb9: {  	s31 =	sshll.u32 s1, $0xD;
	s1 =	sshrl.u32 s1, $0x2  }
0xba: {  	s3 =	sand.u32 $0x4000, s31;
	s1 =	sadd.s32 s1, s30  }
0xbb: {  	s0 =	sor.u32 s3, s0;
	s1 =	sshll.u32 s1, $0x11  }
0xbc: {  	s0 =	sor.u32 s1, s0  }
0xbd: {  	s0 =	sadd.s32 $0x8F2B, s0  }
0xbe: {  	[sflag:s0] =	ssyncadd.remote.s32 $0x1  }
0xbf: {  	_ =	sfence.sel $0xFFFF  }
0xc0: {  	[dreg:$0x0] =	wrdreg $0xFFFFFFFF;
	(pc) =	sbr.abs _section_cstart, $3  }
0xc1: {  	[dreg:$0x1] =	wrdreg $0xFFFFFFFF  }
0xc2: {  	_ =	task.clear_ibuf [dreg:s7], $0x2FFFF;
	_ =	strace $0x9FFFFFFF  }
0xc3: {  	(tm) =	ssettm $0x7FFFFFFF  }
tec
execute0_lowered:
.L_overlay_start_1:
0x0: {  	(tag) =	ssettag $0x1  }
0x1: {  	s1 =	rddreg [dreg:$0x0]  }
0x2: {  	s0 =	rddreg [dreg:$0x1]  }
0x3: {  	s3 =	rddreg [dreg:$0x2]  }
0x4: {  	s2 =	srdreg.scid;
	s4 =	stileid.u32  }
0x5: {  	s11 =	simm.s32 $0x0;
	s13 =	simm.s32 $0x6;
	s14 =	simm.s32 $0x8C0  }
0x6: {  	s15 =	simm.s32 $0x32;
	s16 =	simm.s32 $0x1180;
	s17 =	simm.s32 $0x38  }
0x7: {  	s18 =	simm.s32 $0x2A80;
	s19 =	simm.s32 $0x70;
	s20 =	simm.s32 $0x4380  }
0x8: {  	s21 =	simm.s32 $0xA8;
	s22 =	simm.s32 $0x5C80;
	s28 =	simm.s32 $0x3  }
0x9: {  	s29 =	simm.s32 $0x4;
	s30 =	simm.s32 $0x5;
	s31 =	simm.s32 $0x1068  }
0xa: {  	s2 =	sand.u32 $0x1, s2;
	s7 =	smul.u32 $0x14000, s4;
	[smem:$0x7FF] =	sst s11  }
0xb: {  	s5 =	sadd.s32 $0xD200, s0;
	s6 =	sadd.s32 $0x2200, s0;
	s10 =	sadd.s32 $0x18A00, s0  }
0xc: {  	s25 =	sshll.u32 s4, $0x6;
	s8 =	smul.u32 $0x140000, s2;
	_ =	strace $0x8000004A  }
0xd: {  	s9 =	ssub.s32 $0x2, s2;
	[dreg:$0x5] =	wrdreg s10;
	s2 =	sshll.u32 s2, $0x4  }
0xe: {  	s12 =	sor.u32 $0x1C06, s25;
	s25 =	simm.s32 $0x1;
	s10 =	simm.s32 $0x1148  }
0xf: {  	s23 =	sshrl.u32 s9, $0x1;
	s2 =	sor.u32 s4, s2;
	[dreg:$0x6] =	wrdreg s12  }
0x10: {  	s8 =	sadd.s32 s7, s8;
	s24 =	ssub.s32 s9, s23;
	s7 =	sadd.s32 s7, s3  }
0x11: {  	s9 =	smul.u32 $0x2BC0, s2;
	s23 =	simm.s32 $0xE0;
	s2 =	simm.s32 $0x10D8  }
0x12: {  	s8 =	sshrl.u32 s8, $0x3;
	s26 =	smax.u32 s24, $0x1;
	s24 =	simm.s32 $0x7580  }
0x13: {  	s0 =	sadd.s32 s8, s0;
	[dreg:$0x8] =	wrdreg s26;
	s8 =	sshrl.u32 s7, $0x3  }
0x14: {  	s26 =	simm.s32 $0x2;
	s0 =	sadd.s32 $0x1B200, s0;
	[dreg:$0x9] =	wrdreg s8  }
0x15: {  	s7 =	simm.s32 $0x1110;
	[dreg:$0x7] =	wrdreg s0;
	s0 =	simm.s32 $0x10A0  }
.LBB2_1:
0x16: {  	[dreg:$0x4] =	wrdreg s11  }
0x17: {  	s4 =	rddreg [dreg:$0x5]  }
0x18: {  	[spmem:s8], [sflag:s12] =	dma.local [hbm:s4], $0x2800  }
0x19: {  	_ =	swait.ge [sflag:s13], $0x2800  }
0x1a: {  	[sflag:s13] =	ssyncset.done $0x0  }
0x1b: {  	[sflag:s13] =	ssyncadd.s32 $0xFFFFD800  }
0x1c: {  	s11 =	simm.s32 $0x0;
	[bflag:$0x0] =	sbarrier.arrive $0xFFFF  }
.LBB2_2:
0x1d: {  	s8 =	smul.u32 $0x8C0, s11;
	_ =	sdelay $0x1  }
0x1e: {  	s8 =	sadd.s32 s9, s8  }
0x1f: {  	s8 =	sshrl.u32 s8, $0x3  }
0x20: {  	s4 =	simm.s32 $0x0;
	s12 =	sadd.s32 s5, s8  }
0x21: {  	[tilespmem:s4], [sflag:$0x6] =	stream.linear.gather [hbm4b:s12+s4], $0x8C0, $0x38;
	[tilespmem:$0x1CE80] =	vst v63  }
0x22: {  	_ =	swait.ge [sflag:s13], $0x8C0  }
0x23: {  	[sflag:s13] =	ssyncset.done $0x0  }
0x24: {  	s8 =	sadd.s32 s6, s8;
	[sflag:s13] =	ssyncadd.s32 $0xFFFFF740  }
0x25: {  	[tilespmem:s14], [sflag:$0x6] =	stream.linear.gather [hbm4b:s8+s4], $0x8C0, $0x38;
	[tilespmem:$0x1CE80] =	vst v63  }
0x26: {  	_ =	swait.ge [sflag:s13], $0x8C0  }
0x27: {  	[sflag:s13] =	ssyncset.done $0x0  }
0x28: {  	[sflag:s13] =	ssyncadd.s32 $0xFFFFF740  }
0x29: {  	[tilespmem:s16], [sflag:$0x1] =	stream.indirect.gather [hbm4b:s1+s15], $0x80, s4, s15, $0xb8;
	[tilespmem:$0x1CE80] =	vst v63  }
0x2a: {  	_ = 	snop  }
0x2b: {  	[tilespmem:s18], [sflag:$0x2] =	stream.indirect.gather [hbm4b:s1+s15], $0x80, s17, s15, $0xb8;
	[tilespmem:$0x1CE80] =	vst v63  }
0x2c: {  	_ = 	snop  }
0x2d: {  	[tilespmem:s20], [sflag:$0x3] =	stream.indirect.gather [hbm4b:s1+s15], $0x80, s19, s15, $0xb8;
	[tilespmem:$0x1CE80] =	vst v63  }
0x2e: {  	_ = 	snop  }
0x2f: {  	[tilespmem:s22], [sflag:$0x4] =	stream.indirect.gather [hbm4b:s1+s15], $0x80, s21, s15, $0xb8;
	[tilespmem:$0x1CE80] =	vst v63  }
0x30: {  	_ = 	snop  }
0x31: {  	[tilespmem:s24], [sflag:$0x5] =	stream.indirect.gather [hbm4b:s1+s15], $0x80, s23, s15, $0xb8;
	[tilespmem:$0x1CE80] =	vst v63  }
0x32: {  	_ =	swait.ge [sflag:s25], $0x1900  }
0x33: {  	[sflag:s25] =	ssyncset.done $0x0  }
0x34: {  	s12 =	simm.s32 $0x8C0;
	[sflag:s25] =	ssyncadd.s32 $0xFFFFE700  }
0x35: {  	[spmem:s3] =	stream.indirect.scatter.add.f32 [tilespmem:s16], [sflag:$0x6], $0x80, s12, s15, $0xb8;
	[tilespmem:$0x1CE80] =	vst v63  }
0x36: {  	_ =	swait.ge [sflag:s13], $0x1900  }
0x37: {  	[sflag:s13] =	ssyncset.done $0x0  }
0x38: {  	s8 =	simm.s32 $0x118;
	[sflag:s13] =	ssyncadd.s32 $0xFFFFE700  }
0x39: {  	[tilespmem:s16], [sflag:$0x1] =	stream.indirect.gather [hbm4b:s1+s15], $0x80, s8, s15, $0xb8;
	[tilespmem:$0x1CE80] =	vst v63  }
0x3a: {  	_ =	swait.ge [sflag:s26], $0x1900  }
0x3b: {  	[sflag:s26] =	ssyncset.done $0x0  }
0x3c: {  	s12 =	simm.s32 $0x8F8;
	[sflag:s26] =	ssyncadd.s32 $0xFFFFE700  }
0x3d: {  	[spmem:s3] =	stream.indirect.scatter.add.f32 [tilespmem:s18], [sflag:$0x6], $0x80, s12, s15, $0xb8;
	[tilespmem:$0x1CE80] =	vst v63  }
0x3e: {  	_ =	swait.ge [sflag:s13], $0x1900  }
0x3f: {  	[sflag:s13] =	ssyncset.done $0x0  }
0x40: {  	s8 =	simm.s32 $0x150;
	[sflag:s13] =	ssyncadd.s32 $0xFFFFE700  }
0x41: {  	[tilespmem:s18], [sflag:$0x2] =	stream.indirect.gather [hbm4b:s1+s15], $0x80, s8, s15, $0xb8;
	[tilespmem:$0x1CE80] =	vst v63  }
0x42: {  	_ =	swait.ge [sflag:s28], $0x1900  }
0x43: {  	[sflag:s28] =	ssyncset.done $0x0  }
0x44: {  	s12 =	simm.s32 $0x930;
	[sflag:s28] =	ssyncadd.s32 $0xFFFFE700  }
0x45: {  	[spmem:s3] =	stream.indirect.scatter.add.f32 [tilespmem:s20], [sflag:$0x6], $0x80, s12, s15, $0xb8;
	[tilespmem:$0x1CE80] =	vst v63  }
0x46: {  	_ =	swait.ge [sflag:s13], $0x1900  }
0x47: {  	[sflag:s13] =	ssyncset.done $0x0  }
0x48: {  	s8 =	simm.s32 $0x188;
	[sflag:s13] =	ssyncadd.s32 $0xFFFFE700  }
0x49: {  	[tilespmem:s20], [sflag:$0x3] =	stream.indirect.gather [hbm4b:s1+s15], $0x80, s8, s15, $0xb8;
	[tilespmem:$0x1CE80] =	vst v63  }
0x4a: {  	_ =	swait.ge [sflag:s29], $0x1900  }
0x4b: {  	[sflag:s29] =	ssyncset.done $0x0  }
0x4c: {  	s12 =	simm.s32 $0x968;
	[sflag:s29] =	ssyncadd.s32 $0xFFFFE700  }
0x4d: {  	[spmem:s3] =	stream.indirect.scatter.add.f32 [tilespmem:s22], [sflag:$0x6], $0x80, s12, s15, $0xb8;
	[tilespmem:$0x1CE80] =	vst v63  }
0x4e: {  	_ =	swait.ge [sflag:s13], $0x1900  }
0x4f: {  	[sflag:s13] =	ssyncset.done $0x0  }
0x50: {  	s8 =	simm.s32 $0x1C0;
	[sflag:s13] =	ssyncadd.s32 $0xFFFFE700  }
0x51: {  	[tilespmem:s22], [sflag:$0x4] =	stream.indirect.gather [hbm4b:s1+s15], $0x80, s8, s15, $0xb8;
	[tilespmem:$0x1CE80] =	vst v63  }
0x52: {  	_ =	swait.ge [sflag:s30], $0x1900  }
0x53: {  	[sflag:s30] =	ssyncset.done $0x0  }
0x54: {  	s12 =	simm.s32 $0x9A0;
	[sflag:s30] =	ssyncadd.s32 $0xFFFFE700  }
0x55: {  	[spmem:s3] =	stream.indirect.scatter.add.f32 [tilespmem:s24], [sflag:$0x6], $0x80, s12, s15, $0xb8;
	[tilespmem:$0x1CE80] =	vst v63  }
0x56: {  	_ =	swait.ge [sflag:s13], $0x1900  }
0x57: {  	[sflag:s13] =	ssyncset.done $0x0  }
0x58: {  	s8 =	simm.s32 $0x460;
	s12 =	simm.s32 $0x1F8;
	[sflag:s13] =	ssyncadd.s32 $0xFFFFE700  }
.LBB2_3:
0x59: {  	[tilespmem:s24], [sflag:$0x5] =	stream.indirect.gather [hbm4b:s1+s15], $0x80, s12, s15, $0xb8;
	[tilespmem:$0x1CE80] =	vst v63  }
0x5a: {  	s4 =	smov.u32 s8  }
0x5b: {  	p0 =	sne.s32 s8, $0x1A40;
	s8 =	sadd.s32 $0x460, s8;
	_ =	swait.ge [sflag:s25], $0x1900  }
0x5c: {  	s12 =	sshra.s32 s4, $0x2;
	[sflag:s25] =	ssyncset.done $0x0  }
0x5d: {  	s4 =	sadd.s32 $0x8C0, s12;
	[sflag:s25] =	ssyncadd.s32 $0xFFFFE700  }
0x5e: {  	[spmem:s3] =	stream.indirect.scatter.add.f32 [tilespmem:s16], [sflag:$0x6], $0x80, s4, s15, $0xb8;
	[tilespmem:$0x1CE80] =	vst v63  }
0x5f: {  	_ =	swait.ge [sflag:s13], $0x1900  }
0x60: {  	[sflag:s13] =	ssyncset.done $0x0  }
0x61: {  	s4 =	sadd.s32 $0x118, s12;
	[sflag:s13] =	ssyncadd.s32 $0xFFFFE700  }
0x62: {  	[tilespmem:s16], [sflag:$0x1] =	stream.indirect.gather [hbm4b:s1+s15], $0x80, s4, s15, $0xb8;
	[tilespmem:$0x1CE80] =	vst v63  }
0x63: {  	_ =	swait.ge [sflag:s26], $0x1900  }
0x64: {  	[sflag:s26] =	ssyncset.done $0x0  }
0x65: {  	s4 =	sadd.s32 $0x8F8, s12;
	[sflag:s26] =	ssyncadd.s32 $0xFFFFE700  }
0x66: {  	[spmem:s3] =	stream.indirect.scatter.add.f32 [tilespmem:s18], [sflag:$0x6], $0x80, s4, s15, $0xb8;
	[tilespmem:$0x1CE80] =	vst v63  }
0x67: {  	_ =	swait.ge [sflag:s13], $0x1900  }
0x68: {  	[sflag:s13] =	ssyncset.done $0x0  }
0x69: {  	s4 =	sadd.s32 $0x150, s12;
	[sflag:s13] =	ssyncadd.s32 $0xFFFFE700  }
0x6a: {  	[tilespmem:s18], [sflag:$0x2] =	stream.indirect.gather [hbm4b:s1+s15], $0x80, s4, s15, $0xb8;
	[tilespmem:$0x1CE80] =	vst v63  }
0x6b: {  	_ =	swait.ge [sflag:s28], $0x1900  }
0x6c: {  	[sflag:s28] =	ssyncset.done $0x0  }
0x6d: {  	s4 =	sadd.s32 $0x930, s12;
	[sflag:s28] =	ssyncadd.s32 $0xFFFFE700  }
0x6e: {  	[spmem:s3] =	stream.indirect.scatter.add.f32 [tilespmem:s20], [sflag:$0x6], $0x80, s4, s15, $0xb8;
	[tilespmem:$0x1CE80] =	vst v63  }
0x6f: {  	_ =	swait.ge [sflag:s13], $0x1900  }
0x70: {  	[sflag:s13] =	ssyncset.done $0x0  }
0x71: {  	s4 =	sadd.s32 $0x188, s12;
	[sflag:s13] =	ssyncadd.s32 $0xFFFFE700  }
0x72: {  	[tilespmem:s20], [sflag:$0x3] =	stream.indirect.gather [hbm4b:s1+s15], $0x80, s4, s15, $0xb8;
	[tilespmem:$0x1CE80] =	vst v63  }
0x73: {  	_ =	swait.ge [sflag:s29], $0x1900  }
0x74: {  	[sflag:s29] =	ssyncset.done $0x0  }
0x75: {  	s4 =	sadd.s32 $0x968, s12;
	[sflag:s29] =	ssyncadd.s32 $0xFFFFE700  }
0x76: {  	[spmem:s3] =	stream.indirect.scatter.add.f32 [tilespmem:s22], [sflag:$0x6], $0x80, s4, s15, $0xb8;
	[tilespmem:$0x1CE80] =	vst v63  }
0x77: {  	_ =	swait.ge [sflag:s13], $0x1900  }
0x78: {  	[sflag:s13] =	ssyncset.done $0x0  }
0x79: {  	s4 =	sadd.s32 $0x1C0, s12;
	[sflag:s13] =	ssyncadd.s32 $0xFFFFE700  }
0x7a: {  	[tilespmem:s22], [sflag:$0x4] =	stream.indirect.gather [hbm4b:s1+s15], $0x80, s4, s15, $0xb8;
	[tilespmem:$0x1CE80] =	vst v63  }
0x7b: {  	_ =	swait.ge [sflag:s30], $0x1900  }
0x7c: {  	[sflag:s30] =	ssyncset.done $0x0  }
.Ltmp0:
0x7d: {  	s4 =	sadd.s32 $0x9A0, s12;
	[sflag:s30] =	ssyncadd.s32 $0xFFFFE700;
	(pc) =	sbr.rel @p0 .LBB2_3-.Ltmp0, $4  }
0x7e: {  	[spmem:s3] =	stream.indirect.scatter.add.f32 [tilespmem:s24], [sflag:$0x6], $0x80, s4, s15, $0xb8;
	[tilespmem:$0x1CE80] =	vst v63  }
0x7f: {  	_ =	swait.ge [sflag:s13], $0x1900  }
0x80: {  	[sflag:s13] =	ssyncset.done $0x0  }
0x81: {  	s12 =	sadd.s32 $0x1F8, s12;
	[sflag:s13] =	ssyncadd.s32 $0xFFFFE700  }
0x82: {  	[tilespmem:s24], [sflag:$0x5] =	stream.indirect.gather [hbm4b:s1+s15], $0x80, s12, s15, $0xb8;
	[tilespmem:$0x1CE80] =	vst v63  }
0x83: {  	_ =	swait.ge [sflag:s25], $0x1900  }
0x84: {  	[sflag:s25] =	ssyncset.done $0x0  }
0x85: {  	[sflag:s25] =	ssyncadd.s32 $0xFFFFE700  }
0x86: {  	[spmem:s3] =	stream.indirect.scatter.add.f32 [tilespmem:s16], [sflag:$0x6], $0x80, s31, s15, $0xb8;
	[tilespmem:$0x1CE80] =	vst v63  }
0x87: {  	_ =	swait.ge [sflag:s13], $0x1900  }
0x88: {  	[sflag:s13] =	ssyncset.done $0x0  }
0x89: {  	[sflag:s13] =	ssyncadd.s32 $0xFFFFE700  }
0x8a: {  	_ =	swait.ge [sflag:s26], $0x1900  }
0x8b: {  	[sflag:s26] =	ssyncset.done $0x0  }
0x8c: {  	[sflag:s26] =	ssyncadd.s32 $0xFFFFE700  }
0x8d: {  	[spmem:s3] =	stream.indirect.scatter.add.f32 [tilespmem:s18], [sflag:$0x6], $0x80, s0, s15, $0xb8;
	[tilespmem:$0x1CE80] =	vst v63  }
0x8e: {  	_ =	swait.ge [sflag:s13], $0x1900  }
0x8f: {  	[sflag:s13] =	ssyncset.done $0x0  }
0x90: {  	[sflag:s13] =	ssyncadd.s32 $0xFFFFE700  }
0x91: {  	_ =	swait.ge [sflag:s28], $0x1900  }
0x92: {  	[sflag:s28] =	ssyncset.done $0x0  }
0x93: {  	[sflag:s28] =	ssyncadd.s32 $0xFFFFE700  }
0x94: {  	[spmem:s3] =	stream.indirect.scatter.add.f32 [tilespmem:s20], [sflag:$0x6], $0x80, s2, s15, $0xb8;
	[tilespmem:$0x1CE80] =	vst v63  }
0x95: {  	_ =	swait.ge [sflag:s13], $0x1900  }
0x96: {  	[sflag:s13] =	ssyncset.done $0x0  }
0x97: {  	[sflag:s13] =	ssyncadd.s32 $0xFFFFE700  }
0x98: {  	_ =	swait.ge [sflag:s29], $0x1900  }
0x99: {  	[sflag:s29] =	ssyncset.done $0x0  }
0x9a: {  	[sflag:s29] =	ssyncadd.s32 $0xFFFFE700  }
0x9b: {  	[spmem:s3] =	stream.indirect.scatter.add.f32 [tilespmem:s22], [sflag:$0x6], $0x80, s7, s15, $0xb8;
	[tilespmem:$0x1CE80] =	vst v63  }
0x9c: {  	_ =	swait.ge [sflag:s13], $0x1900  }
0x9d: {  	[sflag:s13] =	ssyncset.done $0x0  }
0x9e: {  	[sflag:s13] =	ssyncadd.s32 $0xFFFFE700  }
0x9f: {  	s11 =	sadd.s32 $0x1, s11;
	_ =	swait.ge [sflag:s30], $0x1900  }
0xa0: {  	p0 =	sne.s32 s11, $0x5;
	[sflag:s30] =	ssyncset.done $0x0  }
.Ltmp1:
0xa1: {  	[sflag:s30] =	ssyncadd.s32 $0xFFFFE700;
	(pc) =	sbr.rel @p0 .LBB2_2-.Ltmp1, $4  }
0xa2: {  	[spmem:s3] =	stream.indirect.scatter.add.f32 [tilespmem:s24], [sflag:$0x6], $0x80, s10, s15, $0xb8;
	[tilespmem:$0x1CE80] =	vst v63  }
0xa3: {  	_ =	swait.ge [sflag:s13], $0x1900  }
0xa4: {  	[sflag:s13] =	ssyncset.done $0x0  }
0xa5: {  	[sflag:s13] =	ssyncadd.s32 $0xFFFFE700  }
0xa6: {  	[bflag:$0x0] =	sbarrier.arrive $0xFFFF  }
0xa7: {  	s12 =	rddreg [dreg:$0x6]  }
0xa8: {  	s4 =	rddreg [dreg:$0x7]  }
0xa9: {  	s8 =	rddreg [dreg:$0x9]  }
0xaa: {  	[hbm:s4], [sflag:s12] =	dma.local [spmem:s8], $0x2800  }
0xab: {  	_ =	swait.ge [sflag:s13], $0x2800  }
0xac: {  	s11 =	rddreg [dreg:$0x4]  }
0xad: {  	s4 =	rddreg [dreg:$0x8];
	s11 =	sadd.s32 $0x1, s11  }
0xae: {  	p0 =	sne.s32 s11, s4  }
.Ltmp2:
0xaf: {  	_ = 	snop;
	(pc) =	sbr.rel @p0 .LBB2_1-.Ltmp2, $3  }
0xb0: {  	_ =	sdelay $0x1  }
0xb1: {  	[sflag:s13] =	ssyncset.done $0x0  }
0xb2: {  	[sflag:s13] =	ssyncadd.s32 $0xFFFFD800  }
0xb3: {  	_ =	sfence.sel $0x180000  }
0xb4: {  	[bflag:$0x0] =	sbarrier.arrive $0xFFFF  }
0xb5: {  	_ =	strace $0x9000004A  }
0xb6: {  	s0 =	stileid.u32;
	[bflag:$0x2] =	sbarrier.arrive $0xFFFF  }
0xb7: {  	p0 =	sne.s32 s0, $0x0;
	s0 =	rddreg [dreg:$0x3]  }
0xb8: {  	s0 =	sadd.s32 @!p0 $0x100000, s0  }
0xb9: {  	[sflag:s0] =	ssyncadd.tile.s32 @!p0 $0x1;
	_ =	shalt  }
.Lfunc_end2:
_tile_overlayer_lowered:
.L_overlay_start_2:
0xba: {  	(tag) =	ssettag $0x2  }
0xbb: {  	s0 =	rddreg [dreg:$0x0];
	s2 =	stileid.u32  }
0xbc: {  	s1 =	rddreg [dreg:$0x1];
	p0 =	sne.s32 s2, $0x0  }
0xbd: {  	s3 =	rddreg [dreg:$0x2];
	[bflag:$0x3] =	sbarrier.arrive $0xFFFF;
	s2 =	simm.s32 @!p0 $0x1C06  }
0xbe: {  	[timem:s3], [sflag:s2] =	dma.local @!p0 [hbm:s0], s1  }
0xbf: {  	s0 =	simm.s32 @!p0 $0x6  }
0xc0: {  	_ =	swait.ge @!p0 [sflag:s0], s1  }
0xc1: {  	s1 =	ssub.s32 @!p0 $0x0, s1;
	[sflag:s0] =	ssyncset.done @!p0 $0x0  }
0xc2: {  	[sflag:s0] =	ssyncadd.s32 @!p0 s1  }
0xc3: {  	[bflag:$0x3] =	sbarrier.arrive $0xFFFF  }
0xc4: {  	_ =	shalt  }

</sc_bundles>
